<compile_context>
chip_gen: v7x
topology: tpu7x:2x2x1
jax: 0.10.2.dev20260603
libtpu: 0.0.44.dev20260713+nightly
codegen_flags: <defaults>
</compile_context>

<pallas_src>
import functools

import jax
import jax.numpy as jnp
from jax import lax
from jax.experimental import pallas as pl
from jax.experimental.pallas import tpu as pltpu
from jax.experimental.pallas import tpu_sc as plsc

NC = 2
NS = 16
L = 16
NW = NC * NS


@functools.lru_cache(maxsize=None)
def _build(B, S, V, D):
    assert B % NW == 0 and S % 2 == 0 and D % L == 0
    half = S // 2
    bat_per_w = B // NW
    rows_per_w = bat_per_w * S

    mesh = plsc.VectorSubcoreMesh(core_axis_name="c", subcore_axis_name="s")

    NBUF = 4

    @functools.partial(
        pl.kernel,
        mesh=mesh,
        compiler_params=pltpu.CompilerParams(use_tc_tiling_on_sc=False),
        out_type=jax.ShapeDtypeStruct((B * S, D), jnp.float32),
        scratch_types=(
            [pltpu.VMEM((2, half), jnp.int32)] +
            [pltpu.VMEM((2 * bat_per_w, half), jnp.int32),
             pltpu.VMEM((S, D), jnp.float32)]
            + [pltpu.VMEM((S, D), jnp.float32)] * NBUF
            + [pltpu.SemaphoreType.DMA] * (2 * NBUF)
        ),
    )
    def k(x_hbm, tok_hbm, pos_hbm, out_hbm, dest_v, idx_v, pos_v, *rest):
        bufs = rest[:NBUF]
        gsems = rest[NBUF:2 * NBUF]
        ssems = rest[2 * NBUF:]

        wid = lax.axis_index("s") * NC + lax.axis_index("c")
        xbase = wid * 2 * bat_per_w
        pltpu.sync_copy(x_hbm.at[pl.ds(xbase, 2 * NBUF)], idx_v.at[pl.ds(0, 2 * NBUF)])
        rest_copy = pltpu.async_copy(
            x_hbm.at[pl.ds(xbase + 2 * NBUF, 2 * bat_per_w - 2 * NBUF)],
            idx_v.at[pl.ds(2 * NBUF, 2 * bat_per_w - 2 * NBUF)], ssems[0])
        pos_copy = pltpu.async_copy(pos_hbm, pos_v, ssems[1])

        def fire_gather(i, j):
            pltpu.async_copy(
                tok_hbm.at[idx_v.at[2 * i]], bufs[j].at[pl.ds(0, half)], gsems[j])
            pltpu.async_copy(
                tok_hbm.at[idx_v.at[2 * i + 1]], bufs[j].at[pl.ds(half, half)],
                gsems[j])

        def drain_gather(j):
            pltpu.make_async_copy(tok_hbm.at[pl.ds(0, S)], bufs[j], gsems[j]).wait()

        def fire_store(i, j):
            for h in range(2):
                pltpu.async_copy(
                    bufs[j].at[pl.ds(h * half, half)],
                    out_hbm.at[dest_v.at[h]], ssems[j])

        def drain_store(j):
            for h in range(2):
                pltpu.make_async_copy(
                    bufs[j].at[pl.ds(0, half)],
                    out_hbm.at[pl.ds(0, half)], ssems[j]).wait()

        def add_pos(j):
            buf = bufs[j]

            @pl.loop(0, S)
            def _(r):
                for c in range(D // L):
                    plsc.addupdate(
                        buf.at[r, pl.ds(c * L, L)],
                        pos_v[r, pl.ds(c * L, L)],
                    )

        for j in range(NBUF):
            fire_gather(j, j)
        rest_copy.wait()
        pos_copy.wait()
        iota16 = jnp.arange(16, dtype=jnp.int32)
        for h in range(2):
            for t in range(7):
                st = min(16 * t, half - 16)
                dest_v.at[h, pl.ds(st, 16)][...] = (
                    wid * rows_per_w + h * half + st + iota16)

        @pl.loop(0, bat_per_w, step=NBUF)
        def _(i):
            def process(j):
                drain_gather(j)
                add_pos(j)
                fire_store(i + j, j)

            def refill(j):
                drain_store(j)

                @pl.when(i + NBUF + j < bat_per_w)
                def _():
                    fire_gather(i + NBUF + j, j)

            process(0)
            process(1)
            refill(0)
            process(2)
            refill(1)
            process(3)
            refill(2)
            refill(3)

    return k


@jax.jit
def kernel(x, token_table, pos_table):
    B, S = x.shape
    V, D = token_table.shape
    x_flat = x.astype(jnp.int32).reshape(B * S // (S // 2), S // 2)
    out = _build(B, S, V, D)(x_flat, token_table, pos_table)
    return out.reshape(B, S, D)

# --- scband reference (transcript-rebuilt; emitter-appended) ---
"""Pipeline reference for scband-token-and-position-embedding-69406671504021 (READ-ONLY COPY).

The authoritative reference and input builder live on the scoring server;
editing this copy changes nothing except your own understanding.
"""

import jax, jax.numpy as jnp
import numpy as np

MAXLEN = 200
VOCAB_SIZE = 100000
EMBED_DIM = 64
BATCH = 4096

def setup_inputs(seed: int = 0) -> dict:
    key = jax.random.key(seed)
    k1, k2, k3 = jax.random.split(key, 3)
    x = jax.random.randint(k1, (BATCH, MAXLEN), 0, VOCAB_SIZE, dtype=jnp.int64 if jax.config.jax_enable_x64 else jnp.int32)
    token_table = jax.random.normal(k2, (VOCAB_SIZE, EMBED_DIM), dtype=jnp.float32) * 0.05
    pos_table = jax.random.normal(k3, (MAXLEN, EMBED_DIM), dtype=jnp.float32) * 0.05
    return {"x": x, "token_table": token_table, "pos_table": pos_table}

def reference(x, token_table, pos_table):
    # maxlen = tf.shape(x)[-1]; positions = range(maxlen)
    seq_len = x.shape[-1]
    positions = jnp.arange(seq_len)
    pos_emb = jnp.take(pos_table, positions, axis=0)          # [S, D]
    tok_emb = jnp.take(token_table, x, axis=0)                # [B, S, D]
    return tok_emb + pos_emb[None, :, :]

if __name__ == "__main__":
    import jax
    _d = setup_inputs()
    print(jax.jit(kernel)(*tuple(_d.values())))

</pallas_src>

<mosaic_0001>
#map = affine_map<(d0, d1) -> (0, 0)>
module attributes {stable_mosaic.version = 14 : i64} {
  func.func @k(%arg0: i32, %arg1: i32, %arg2: memref<8192x100xi32, #tpu.memory_space<hbm>>, %arg3: memref<100000x64xf32, #tpu.memory_space<hbm>>, %arg4: memref<200x64xf32, #tpu.memory_space<hbm>>, %arg5: memref<819200x64xf32, #tpu.memory_space<hbm>>, %arg6: memref<2x100xi32, #tpu.memory_space<vmem>>, %arg7: memref<256x100xi32, #tpu.memory_space<vmem>>, %arg8: memref<200x64xf32, #tpu.memory_space<vmem>>, %arg9: memref<200x64xf32, #tpu.memory_space<vmem>>, %arg10: memref<200x64xf32, #tpu.memory_space<vmem>>, %arg11: memref<200x64xf32, #tpu.memory_space<vmem>>, %arg12: memref<200x64xf32, #tpu.memory_space<vmem>>, %arg13: memref<!tpu.dma_semaphore, #tpu.memory_space<semaphore_mem>>, %arg14: memref<!tpu.dma_semaphore, #tpu.memory_space<semaphore_mem>>, %arg15: memref<!tpu.dma_semaphore, #tpu.memory_space<semaphore_mem>>, %arg16: memref<!tpu.dma_semaphore, #tpu.memory_space<semaphore_mem>>, %arg17: memref<!tpu.dma_semaphore, #tpu.memory_space<semaphore_mem>>, %arg18: memref<!tpu.dma_semaphore, #tpu.memory_space<semaphore_mem>>, %arg19: memref<!tpu.dma_semaphore, #tpu.memory_space<semaphore_mem>>, %arg20: memref<!tpu.dma_semaphore, #tpu.memory_space<semaphore_mem>>) attributes {dimension_semantics = [#tpu.dimension_semantics<core_parallel>, #tpu.dimension_semantics<subcore_parallel>], iteration_bounds = array<i64: 2, 16>, scalar_prefetch = 0 : i64, scratch_operands = 15 : i64, tpu.core_type = #tpu.core_type<sc_vector_subcore>, window_params = [{transform_indices = #map}, {transform_indices = #map}, {transform_indices = #map}, {transform_indices = #map}]} {
    %mul3A = arith.constant 2 : i32
    %mul3A_0 = arith.muli %arg1, %mul3A : i32
    %add3A = arith.addi %mul3A_0, %arg0 : i32
    %mul3A_1 = arith.constant 2 : i32
    %mul3A_2 = arith.muli %add3A, %mul3A_1 : i32
    %mul3A_3 = arith.constant 128 : i32
    %mul3A_4 = arith.muli %mul3A_2, %mul3A_3 : i32
    "tpu.region"() ({
      %run_scoped3A = tpu.sem_alloc : memref<!tpu.dma_semaphore, #tpu.memory_space<semaphore_mem>>
      %dma_start3A_304 = arith.constant 0 : i32
      %dma_start3A_305 = arith.constant 0 : i32
      %dma_start3A_306 = tpu.memref_slice %arg7[%dma_start3A_304, %dma_start3A_305] : memref<256x100xi32, #tpu.memory_space<vmem>> -> memref<8x100xi32, #tpu.memory_space<vmem>>
      %dma_start3A_307 = arith.constant 0 : i32
      %dma_start3A_308 = tpu.memref_slice %arg2[%mul3A_4, %dma_start3A_307] : memref<8192x100xi32, #tpu.memory_space<hbm>> -> memref<8x100xi32, #tpu.memory_space<hbm>>
      %dma_start3A_309 = arith.constant 0 : i32
      %dma_start3A_310 = arith.constant 0 : i32
      %dma_start3A_311 = tpu.memref_slice %arg7[%dma_start3A_309, %dma_start3A_310] : memref<256x100xi32, #tpu.memory_space<vmem>> -> memref<8x100xi32, #tpu.memory_space<vmem>>
      %dma_start3A_312 = arith.constant 0 : i32
      %dma_start3A_313 = tpu.memref_slice %arg2[%mul3A_4, %dma_start3A_312] : memref<8192x100xi32, #tpu.memory_space<hbm>> -> memref<8x100xi32, #tpu.memory_space<hbm>>
      tpu.enqueue_dma source(%dma_start3A_313 : memref<8x100xi32, #tpu.memory_space<hbm>>) target(%dma_start3A_311 : memref<8x100xi32, #tpu.memory_space<vmem>>) target_semaphore(%run_scoped3A : memref<!tpu.dma_semaphore, #tpu.memory_space<semaphore_mem>>)
      %dma_wait3A_314 = arith.constant 0 : i32
      %dma_wait3A_315 = arith.constant 0 : i32
      %dma_wait3A_316 = tpu.memref_slice %arg7[%dma_wait3A_314, %dma_wait3A_315] : memref<256x100xi32, #tpu.memory_space<vmem>> -> memref<8x100xi32, #tpu.memory_space<vmem>>
      %dma_wait3A_317 = arith.constant 0 : i32
      %dma_wait3A_318 = tpu.memref_slice %arg2[%mul3A_4, %dma_wait3A_317] : memref<8192x100xi32, #tpu.memory_space<hbm>> -> memref<8x100xi32, #tpu.memory_space<hbm>>
      %dma_wait3A_319 = arith.constant 0 : i32
      %dma_wait3A_320 = arith.constant 0 : i32
      %dma_wait3A_321 = tpu.memref_slice %arg7[%dma_wait3A_319, %dma_wait3A_320] : memref<256x100xi32, #tpu.memory_space<vmem>> -> memref<8x100xi32, #tpu.memory_space<vmem>>
      %dma_wait3A_322 = arith.constant 0 : i32
      %dma_wait3A_323 = tpu.memref_slice %arg2[%mul3A_4, %dma_wait3A_322] : memref<8192x100xi32, #tpu.memory_space<hbm>> -> memref<8x100xi32, #tpu.memory_space<hbm>>
      tpu.wait_dma2 semaphore(%run_scoped3A : memref<!tpu.dma_semaphore, #tpu.memory_space<semaphore_mem>>) src(%dma_wait3A_323 : memref<8x100xi32, #tpu.memory_space<hbm>>) dst(%dma_wait3A_321 : memref<8x100xi32, #tpu.memory_space<vmem>>)
      tpu.yield
    }) : () -> ()
    %add3A_5 = arith.constant 8 : i32
    %add3A_6 = arith.addi %mul3A_4, %add3A_5 : i32
    %dma_start3A = arith.constant 8 : i32
    %dma_start3A_7 = arith.constant 0 : i32
    %dma_start3A_8 = tpu.memref_slice %arg7[%dma_start3A, %dma_start3A_7] : memref<256x100xi32, #tpu.memory_space<vmem>> -> memref<248x100xi32, #tpu.memory_space<vmem>>
    %dma_start3A_9 = arith.constant 0 : i32
    %dma_start3A_10 = tpu.memref_slice %arg2[%add3A_6, %dma_start3A_9] : memref<8192x100xi32, #tpu.memory_space<hbm>> -> memref<248x100xi32, #tpu.memory_space<hbm>>
    %dma_start3A_11 = arith.constant 8 : i32
    %dma_start3A_12 = arith.constant 0 : i32
    %dma_start3A_13 = tpu.memref_slice %arg7[%dma_start3A_11, %dma_start3A_12] : memref<256x100xi32, #tpu.memory_space<vmem>> -> memref<248x100xi32, #tpu.memory_space<vmem>>
    %dma_start3A_14 = arith.constant 0 : i32
    %dma_start3A_15 = tpu.memref_slice %arg2[%add3A_6, %dma_start3A_14] : memref<8192x100xi32, #tpu.memory_space<hbm>> -> memref<248x100xi32, #tpu.memory_space<hbm>>
    tpu.enqueue_dma source(%dma_start3A_15 : memref<248x100xi32, #tpu.memory_space<hbm>>) target(%dma_start3A_13 : memref<248x100xi32, #tpu.memory_space<vmem>>) target_semaphore(%arg17 : memref<!tpu.dma_semaphore, #tpu.memory_space<semaphore_mem>>)
    tpu.enqueue_dma source(%arg4 : memref<200x64xf32, #tpu.memory_space<hbm>>) target(%arg8 : memref<200x64xf32, #tpu.memory_space<vmem>>) target_semaphore(%arg18 : memref<!tpu.dma_semaphore, #tpu.memory_space<semaphore_mem>>)
    %dma_start3A_16 = arith.constant 0 : i32
    %dma_start3A_17 = arith.constant 0 : i32
    %dma_start3A_18 = arith.constant 0 : i32
    %dma_start3A_19 = tpu.memref_slice %arg9[%dma_start3A_17, %dma_start3A_18] : memref<200x64xf32, #tpu.memory_space<vmem>> -> memref<100x64xf32, #tpu.memory_space<vmem>>
    %dma_start3A_20 = arith.constant 0 : i32
    %dma_start3A_21 = tpu.memref_slice %arg7[%dma_start3A_16, %dma_start3A_20] : memref<256x100xi32, #tpu.memory_space<vmem>> -> memref<1x100xi32, #tpu.memory_space<vmem>>
    %dma_start3A_22 = tpu.memref_squeeze %dma_start3A_21 : memref<1x100xi32, #tpu.memory_space<vmem>> -> memref<100xi32, #tpu.memory_space<vmem>>
    %dma_start3A_23 = arith.constant 0 : i32
    %dma_start3A_24 = arith.constant 0 : i32
    %dma_start3A_25 = tpu.memref_slice %arg3[%dma_start3A_23, %dma_start3A_24] : memref<100000x64xf32, #tpu.memory_space<hbm>> -> memref<100000x64xf32, #tpu.memory_space<hbm>>
    tpu.enqueue_indirect_dma source(%dma_start3A_25 : memref<100000x64xf32, #tpu.memory_space<hbm>>) target(%dma_start3A_19 : memref<100x64xf32, #tpu.memory_space<vmem>>) offsets(%dma_start3A_22 : memref<100xi32, #tpu.memory_space<vmem>>) semaphore(%arg13 : memref<!tpu.dma_semaphore, #tpu.memory_space<semaphore_mem>>)
    %dma_start3A_26 = arith.constant 1 : i32
    %dma_start3A_27 = arith.constant 100 : i32
    %dma_start3A_28 = arith.constant 0 : i32
    %dma_start3A_29 = tpu.memref_slice %arg9[%dma_start3A_27, %dma_start3A_28] : memref<200x64xf32, #tpu.memory_space<vmem>> -> memref<100x64xf32, #tpu.memory_space<vmem>>
    %dma_start3A_30 = arith.constant 0 : i32
    %dma_start3A_31 = tpu.memref_slice %arg7[%dma_start3A_26, %dma_start3A_30] : memref<256x100xi32, #tpu.memory_space<vmem>> -> memref<1x100xi32, #tpu.memory_space<vmem>>
    %dma_start3A_32 = tpu.memref_squeeze %dma_start3A_31 : memref<1x100xi32, #tpu.memory_space<vmem>> -> memref<100xi32, #tpu.memory_space<vmem>>
    %dma_start3A_33 = arith.constant 0 : i32
    %dma_start3A_34 = arith.constant 0 : i32
    %dma_start3A_35 = tpu.memref_slice %arg3[%dma_start3A_33, %dma_start3A_34] : memref<100000x64xf32, #tpu.memory_space<hbm>> -> memref<100000x64xf32, #tpu.memory_space<hbm>>
    tpu.enqueue_indirect_dma source(%dma_start3A_35 : memref<100000x64xf32, #tpu.memory_space<hbm>>) target(%dma_start3A_29 : memref<100x64xf32, #tpu.memory_space<vmem>>) offsets(%dma_start3A_32 : memref<100xi32, #tpu.memory_space<vmem>>) semaphore(%arg13 : memref<!tpu.dma_semaphore, #tpu.memory_space<semaphore_mem>>)
    %dma_start3A_36 = arith.constant 2 : i32
    %dma_start3A_37 = arith.constant 0 : i32
    %dma_start3A_38 = arith.constant 0 : i32
    %dma_start3A_39 = tpu.memref_slice %arg10[%dma_start3A_37, %dma_start3A_38] : memref<200x64xf32, #tpu.memory_space<vmem>> -> memref<100x64xf32, #tpu.memory_space<vmem>>
    %dma_start3A_40 = arith.constant 0 : i32
    %dma_start3A_41 = tpu.memref_slice %arg7[%dma_start3A_36, %dma_start3A_40] : memref<256x100xi32, #tpu.memory_space<vmem>> -> memref<1x100xi32, #tpu.memory_space<vmem>>
    %dma_start3A_42 = tpu.memref_squeeze %dma_start3A_41 : memref<1x100xi32, #tpu.memory_space<vmem>> -> memref<100xi32, #tpu.memory_space<vmem>>
    %dma_start3A_43 = arith.constant 0 : i32
    %dma_start3A_44 = arith.constant 0 : i32
    %dma_start3A_45 = tpu.memref_slice %arg3[%dma_start3A_43, %dma_start3A_44] : memref<100000x64xf32, #tpu.memory_space<hbm>> -> memref<100000x64xf32, #tpu.memory_space<hbm>>
    tpu.enqueue_indirect_dma source(%dma_start3A_45 : memref<100000x64xf32, #tpu.memory_space<hbm>>) target(%dma_start3A_39 : memref<100x64xf32, #tpu.memory_space<vmem>>) offsets(%dma_start3A_42 : memref<100xi32, #tpu.memory_space<vmem>>) semaphore(%arg14 : memref<!tpu.dma_semaphore, #tpu.memory_space<semaphore_mem>>)
    %dma_start3A_46 = arith.constant 3 : i32
    %dma_start3A_47 = arith.constant 100 : i32
    %dma_start3A_48 = arith.constant 0 : i32
    %dma_start3A_49 = tpu.memref_slice %arg10[%dma_start3A_47, %dma_start3A_48] : memref<200x64xf32, #tpu.memory_space<vmem>> -> memref<100x64xf32, #tpu.memory_space<vmem>>
    %dma_start3A_50 = arith.constant 0 : i32
    %dma_start3A_51 = tpu.memref_slice %arg7[%dma_start3A_46, %dma_start3A_50] : memref<256x100xi32, #tpu.memory_space<vmem>> -> memref<1x100xi32, #tpu.memory_space<vmem>>
    %dma_start3A_52 = tpu.memref_squeeze %dma_start3A_51 : memref<1x100xi32, #tpu.memory_space<vmem>> -> memref<100xi32, #tpu.memory_space<vmem>>
    %dma_start3A_53 = arith.constant 0 : i32
    %dma_start3A_54 = arith.constant 0 : i32
    %dma_start3A_55 = tpu.memref_slice %arg3[%dma_start3A_53, %dma_start3A_54] : memref<100000x64xf32, #tpu.memory_space<hbm>> -> memref<100000x64xf32, #tpu.memory_space<hbm>>
    tpu.enqueue_indirect_dma source(%dma_start3A_55 : memref<100000x64xf32, #tpu.memory_space<hbm>>) target(%dma_start3A_49 : memref<100x64xf32, #tpu.memory_space<vmem>>) offsets(%dma_start3A_52 : memref<100xi32, #tpu.memory_space<vmem>>) semaphore(%arg14 : memref<!tpu.dma_semaphore, #tpu.memory_space<semaphore_mem>>)
    %dma_start3A_56 = arith.constant 4 : i32
    %dma_start3A_57 = arith.constant 0 : i32
    %dma_start3A_58 = arith.constant 0 : i32
    %dma_start3A_59 = tpu.memref_slice %arg11[%dma_start3A_57, %dma_start3A_58] : memref<200x64xf32, #tpu.memory_space<vmem>> -> memref<100x64xf32, #tpu.memory_space<vmem>>
    %dma_start3A_60 = arith.constant 0 : i32
    %dma_start3A_61 = tpu.memref_slice %arg7[%dma_start3A_56, %dma_start3A_60] : memref<256x100xi32, #tpu.memory_space<vmem>> -> memref<1x100xi32, #tpu.memory_space<vmem>>
    %dma_start3A_62 = tpu.memref_squeeze %dma_start3A_61 : memref<1x100xi32, #tpu.memory_space<vmem>> -> memref<100xi32, #tpu.memory_space<vmem>>
    %dma_start3A_63 = arith.constant 0 : i32
    %dma_start3A_64 = arith.constant 0 : i32
    %dma_start3A_65 = tpu.memref_slice %arg3[%dma_start3A_63, %dma_start3A_64] : memref<100000x64xf32, #tpu.memory_space<hbm>> -> memref<100000x64xf32, #tpu.memory_space<hbm>>
    tpu.enqueue_indirect_dma source(%dma_start3A_65 : memref<100000x64xf32, #tpu.memory_space<hbm>>) target(%dma_start3A_59 : memref<100x64xf32, #tpu.memory_space<vmem>>) offsets(%dma_start3A_62 : memref<100xi32, #tpu.memory_space<vmem>>) semaphore(%arg15 : memref<!tpu.dma_semaphore, #tpu.memory_space<semaphore_mem>>)
    %dma_start3A_66 = arith.constant 5 : i32
    %dma_start3A_67 = arith.constant 100 : i32
    %dma_start3A_68 = arith.constant 0 : i32
    %dma_start3A_69 = tpu.memref_slice %arg11[%dma_start3A_67, %dma_start3A_68] : memref<200x64xf32, #tpu.memory_space<vmem>> -> memref<100x64xf32, #tpu.memory_space<vmem>>
    %dma_start3A_70 = arith.constant 0 : i32
    %dma_start3A_71 = tpu.memref_slice %arg7[%dma_start3A_66, %dma_start3A_70] : memref<256x100xi32, #tpu.memory_space<vmem>> -> memref<1x100xi32, #tpu.memory_space<vmem>>
    %dma_start3A_72 = tpu.memref_squeeze %dma_start3A_71 : memref<1x100xi32, #tpu.memory_space<vmem>> -> memref<100xi32, #tpu.memory_space<vmem>>
    %dma_start3A_73 = arith.constant 0 : i32
    %dma_start3A_74 = arith.constant 0 : i32
    %dma_start3A_75 = tpu.memref_slice %arg3[%dma_start3A_73, %dma_start3A_74] : memref<100000x64xf32, #tpu.memory_space<hbm>> -> memref<100000x64xf32, #tpu.memory_space<hbm>>
    tpu.enqueue_indirect_dma source(%dma_start3A_75 : memref<100000x64xf32, #tpu.memory_space<hbm>>) target(%dma_start3A_69 : memref<100x64xf32, #tpu.memory_space<vmem>>) offsets(%dma_start3A_72 : memref<100xi32, #tpu.memory_space<vmem>>) semaphore(%arg15 : memref<!tpu.dma_semaphore, #tpu.memory_space<semaphore_mem>>)
    %dma_start3A_76 = arith.constant 6 : i32
    %dma_start3A_77 = arith.constant 0 : i32
    %dma_start3A_78 = arith.constant 0 : i32
    %dma_start3A_79 = tpu.memref_slice %arg12[%dma_start3A_77, %dma_start3A_78] : memref<200x64xf32, #tpu.memory_space<vmem>> -> memref<100x64xf32, #tpu.memory_space<vmem>>
    %dma_start3A_80 = arith.constant 0 : i32
    %dma_start3A_81 = tpu.memref_slice %arg7[%dma_start3A_76, %dma_start3A_80] : memref<256x100xi32, #tpu.memory_space<vmem>> -> memref<1x100xi32, #tpu.memory_space<vmem>>
    %dma_start3A_82 = tpu.memref_squeeze %dma_start3A_81 : memref<1x100xi32, #tpu.memory_space<vmem>> -> memref<100xi32, #tpu.memory_space<vmem>>
    %dma_start3A_83 = arith.constant 0 : i32
    %dma_start3A_84 = arith.constant 0 : i32
    %dma_start3A_85 = tpu.memref_slice %arg3[%dma_start3A_83, %dma_start3A_84] : memref<100000x64xf32, #tpu.memory_space<hbm>> -> memref<100000x64xf32, #tpu.memory_space<hbm>>
    tpu.enqueue_indirect_dma source(%dma_start3A_85 : memref<100000x64xf32, #tpu.memory_space<hbm>>) target(%dma_start3A_79 : memref<100x64xf32, #tpu.memory_space<vmem>>) offsets(%dma_start3A_82 : memref<100xi32, #tpu.memory_space<vmem>>) semaphore(%arg16 : memref<!tpu.dma_semaphore, #tpu.memory_space<semaphore_mem>>)
    %dma_start3A_86 = arith.constant 7 : i32
    %dma_start3A_87 = arith.constant 100 : i32
    %dma_start3A_88 = arith.constant 0 : i32
    %dma_start3A_89 = tpu.memref_slice %arg12[%dma_start3A_87, %dma_start3A_88] : memref<200x64xf32, #tpu.memory_space<vmem>> -> memref<100x64xf32, #tpu.memory_space<vmem>>
    %dma_start3A_90 = arith.constant 0 : i32
    %dma_start3A_91 = tpu.memref_slice %arg7[%dma_start3A_86, %dma_start3A_90] : memref<256x100xi32, #tpu.memory_space<vmem>> -> memref<1x100xi32, #tpu.memory_space<vmem>>
    %dma_start3A_92 = tpu.memref_squeeze %dma_start3A_91 : memref<1x100xi32, #tpu.memory_space<vmem>> -> memref<100xi32, #tpu.memory_space<vmem>>
    %dma_start3A_93 = arith.constant 0 : i32
    %dma_start3A_94 = arith.constant 0 : i32
    %dma_start3A_95 = tpu.memref_slice %arg3[%dma_start3A_93, %dma_start3A_94] : memref<100000x64xf32, #tpu.memory_space<hbm>> -> memref<100000x64xf32, #tpu.memory_space<hbm>>
    tpu.enqueue_indirect_dma source(%dma_start3A_95 : memref<100000x64xf32, #tpu.memory_space<hbm>>) target(%dma_start3A_89 : memref<100x64xf32, #tpu.memory_space<vmem>>) offsets(%dma_start3A_92 : memref<100xi32, #tpu.memory_space<vmem>>) semaphore(%arg16 : memref<!tpu.dma_semaphore, #tpu.memory_space<semaphore_mem>>)
    %dma_wait3A = arith.constant 8 : i32
    %dma_wait3A_96 = arith.constant 0 : i32
    %dma_wait3A_97 = tpu.memref_slice %arg7[%dma_wait3A, %dma_wait3A_96] : memref<256x100xi32, #tpu.memory_space<vmem>> -> memref<248x100xi32, #tpu.memory_space<vmem>>
    %dma_wait3A_98 = arith.constant 0 : i32
    %dma_wait3A_99 = tpu.memref_slice %arg2[%add3A_6, %dma_wait3A_98] : memref<8192x100xi32, #tpu.memory_space<hbm>> -> memref<248x100xi32, #tpu.memory_space<hbm>>
    %dma_wait3A_100 = arith.constant 8 : i32
    %dma_wait3A_101 = arith.constant 0 : i32
    %dma_wait3A_102 = tpu.memref_slice %arg7[%dma_wait3A_100, %dma_wait3A_101] : memref<256x100xi32, #tpu.memory_space<vmem>> -> memref<248x100xi32, #tpu.memory_space<vmem>>
    %dma_wait3A_103 = arith.constant 0 : i32
    %dma_wait3A_104 = tpu.memref_slice %arg2[%add3A_6, %dma_wait3A_103] : memref<8192x100xi32, #tpu.memory_space<hbm>> -> memref<248x100xi32, #tpu.memory_space<hbm>>
    tpu.wait_dma2 semaphore(%arg17 : memref<!tpu.dma_semaphore, #tpu.memory_space<semaphore_mem>>) src(%dma_wait3A_104 : memref<248x100xi32, #tpu.memory_space<hbm>>) dst(%dma_wait3A_102 : memref<248x100xi32, #tpu.memory_space<vmem>>)
    tpu.wait_dma2 semaphore(%arg18 : memref<!tpu.dma_semaphore, #tpu.memory_space<semaphore_mem>>) src(%arg4 : memref<200x64xf32, #tpu.memory_space<hbm>>) dst(%arg8 : memref<200x64xf32, #tpu.memory_space<vmem>>)
    %iota3A = tpu.iota {dimensions = array<i32: 0>} : vector<16xi32>
    %mul3A_105 = arith.constant 25600 : i32
    %mul3A_106 = arith.muli %add3A, %mul3A_105 : i32
    %add3A_107 = arith.constant 0 : i32
    %add3A_108 = arith.addi %mul3A_106, %add3A_107 : i32
    %add3A_109 = arith.constant 0 : i32
    %add3A_110 = arith.addi %add3A_108, %add3A_109 : i32
    %add3A_111 = vector.broadcast %add3A_110 : i32 to vector<16xi32>
    %add3A_112 = arith.addi %add3A_111, %iota3A : vector<16xi32>
    %swap3A = arith.constant 0 : i32
    %swap3A_113 = arith.index_cast %swap3A : i32 to index
    %swap3A_114 = arith.constant 0 : index
    %swap3A_115 = tpu.vector_load %arg6[%swap3A_113, %swap3A_114] {strides = array<i32>} : memref<2x100xi32, #tpu.memory_space<vmem>>, vector<1x16xi32>,
    %swap3A_116 = vector.shape_cast %swap3A_115 : vector<1x16xi32> to vector<16xi32>
    %swap3A_117 = vector.shape_cast %add3A_112 : vector<16xi32> to vector<1x16xi32>
    tpu.vector_store %arg6[%swap3A_113, %swap3A_114], %swap3A_117 {strides = array<i32>} : memref<2x100xi32, #tpu.memory_space<vmem>>, vector<1x16xi32>,
    %mul3A_118 = arith.constant 25600 : i32
    %mul3A_119 = arith.muli %add3A, %mul3A_118 : i32
    %add3A_120 = arith.constant 0 : i32
    %add3A_121 = arith.addi %mul3A_119, %add3A_120 : i32
    %add3A_122 = arith.constant 16 : i32
    %add3A_123 = arith.addi %add3A_121, %add3A_122 : i32
    %add3A_124 = vector.broadcast %add3A_123 : i32 to vector<16xi32>
    %add3A_125 = arith.addi %add3A_124, %iota3A : vector<16xi32>
    %swap3A_126 = arith.constant 0 : i32
    %swap3A_127 = arith.index_cast %swap3A_126 : i32 to index
    %swap3A_128 = arith.constant 16 : index
    %swap3A_129 = tpu.vector_load %arg6[%swap3A_127, %swap3A_128] {strides = array<i32>} : memref<2x100xi32, #tpu.memory_space<vmem>>, vector<1x16xi32>,
    %swap3A_130 = vector.shape_cast %swap3A_129 : vector<1x16xi32> to vector<16xi32>
    %swap3A_131 = vector.shape_cast %add3A_125 : vector<16xi32> to vector<1x16xi32>
    tpu.vector_store %arg6[%swap3A_127, %swap3A_128], %swap3A_131 {strides = array<i32>} : memref<2x100xi32, #tpu.memory_space<vmem>>, vector<1x16xi32>,
    %mul3A_132 = arith.constant 25600 : i32
    %mul3A_133 = arith.muli %add3A, %mul3A_132 : i32
    %add3A_134 = arith.constant 0 : i32
    %add3A_135 = arith.addi %mul3A_133, %add3A_134 : i32
    %add3A_136 = arith.constant 32 : i32
    %add3A_137 = arith.addi %add3A_135, %add3A_136 : i32
    %add3A_138 = vector.broadcast %add3A_137 : i32 to vector<16xi32>
    %add3A_139 = arith.addi %add3A_138, %iota3A : vector<16xi32>
    %swap3A_140 = arith.constant 0 : i32
    %swap3A_141 = arith.index_cast %swap3A_140 : i32 to index
    %swap3A_142 = arith.constant 32 : index
    %swap3A_143 = tpu.vector_load %arg6[%swap3A_141, %swap3A_142] {strides = array<i32>} : memref<2x100xi32, #tpu.memory_space<vmem>>, vector<1x16xi32>,
    %swap3A_144 = vector.shape_cast %swap3A_143 : vector<1x16xi32> to vector<16xi32>
    %swap3A_145 = vector.shape_cast %add3A_139 : vector<16xi32> to vector<1x16xi32>
    tpu.vector_store %arg6[%swap3A_141, %swap3A_142], %swap3A_145 {strides = array<i32>} : memref<2x100xi32, #tpu.memory_space<vmem>>, vector<1x16xi32>,
    %mul3A_146 = arith.constant 25600 : i32
    %mul3A_147 = arith.muli %add3A, %mul3A_146 : i32
    %add3A_148 = arith.constant 0 : i32
    %add3A_149 = arith.addi %mul3A_147, %add3A_148 : i32
    %add3A_150 = arith.constant 48 : i32
    %add3A_151 = arith.addi %add3A_149, %add3A_150 : i32
    %add3A_152 = vector.broadcast %add3A_151 : i32 to vector<16xi32>
    %add3A_153 = arith.addi %add3A_152, %iota3A : vector<16xi32>
    %swap3A_154 = arith.constant 0 : i32
    %swap3A_155 = arith.index_cast %swap3A_154 : i32 to index
    %swap3A_156 = arith.constant 48 : index
    %swap3A_157 = tpu.vector_load %arg6[%swap3A_155, %swap3A_156] {strides = array<i32>} : memref<2x100xi32, #tpu.memory_space<vmem>>, vector<1x16xi32>,
    %swap3A_158 = vector.shape_cast %swap3A_157 : vector<1x16xi32> to vector<16xi32>
    %swap3A_159 = vector.shape_cast %add3A_153 : vector<16xi32> to vector<1x16xi32>
    tpu.vector_store %arg6[%swap3A_155, %swap3A_156], %swap3A_159 {strides = array<i32>} : memref<2x100xi32, #tpu.memory_space<vmem>>, vector<1x16xi32>,
    %mul3A_160 = arith.constant 25600 : i32
    %mul3A_161 = arith.muli %add3A, %mul3A_160 : i32
    %add3A_162 = arith.constant 0 : i32
    %add3A_163 = arith.addi %mul3A_161, %add3A_162 : i32
    %add3A_164 = arith.constant 64 : i32
    %add3A_165 = arith.addi %add3A_163, %add3A_164 : i32
    %add3A_166 = vector.broadcast %add3A_165 : i32 to vector<16xi32>
    %add3A_167 = arith.addi %add3A_166, %iota3A : vector<16xi32>
    %swap3A_168 = arith.constant 0 : i32
    %swap3A_169 = arith.index_cast %swap3A_168 : i32 to index
    %swap3A_170 = arith.constant 64 : index
    %swap3A_171 = tpu.vector_load %arg6[%swap3A_169, %swap3A_170] {strides = array<i32>} : memref<2x100xi32, #tpu.memory_space<vmem>>, vector<1x16xi32>,
    %swap3A_172 = vector.shape_cast %swap3A_171 : vector<1x16xi32> to vector<16xi32>
    %swap3A_173 = vector.shape_cast %add3A_167 : vector<16xi32> to vector<1x16xi32>
    tpu.vector_store %arg6[%swap3A_169, %swap3A_170], %swap3A_173 {strides = array<i32>} : memref<2x100xi32, #tpu.memory_space<vmem>>, vector<1x16xi32>,
    %mul3A_174 = arith.constant 25600 : i32
    %mul3A_175 = arith.muli %add3A, %mul3A_174 : i32
    %add3A_176 = arith.constant 0 : i32
    %add3A_177 = arith.addi %mul3A_175, %add3A_176 : i32
    %add3A_178 = arith.constant 80 : i32
    %add3A_179 = arith.addi %add3A_177, %add3A_178 : i32
    %add3A_180 = vector.broadcast %add3A_179 : i32 to vector<16xi32>
    %add3A_181 = arith.addi %add3A_180, %iota3A : vector<16xi32>
    %swap3A_182 = arith.constant 0 : i32
    %swap3A_183 = arith.index_cast %swap3A_182 : i32 to index
    %swap3A_184 = arith.constant 80 : index
    %swap3A_185 = tpu.vector_load %arg6[%swap3A_183, %swap3A_184] {strides = array<i32>} : memref<2x100xi32, #tpu.memory_space<vmem>>, vector<1x16xi32>,
    %swap3A_186 = vector.shape_cast %swap3A_185 : vector<1x16xi32> to vector<16xi32>
    %swap3A_187 = vector.shape_cast %add3A_181 : vector<16xi32> to vector<1x16xi32>
    tpu.vector_store %arg6[%swap3A_183, %swap3A_184], %swap3A_187 {strides = array<i32>} : memref<2x100xi32, #tpu.memory_space<vmem>>, vector<1x16xi32>,
    %mul3A_188 = arith.constant 25600 : i32
    %mul3A_189 = arith.muli %add3A, %mul3A_188 : i32
    %add3A_190 = arith.constant 0 : i32
    %add3A_191 = arith.addi %mul3A_189, %add3A_190 : i32
    %add3A_192 = arith.constant 84 : i32
    %add3A_193 = arith.addi %add3A_191, %add3A_192 : i32
    %add3A_194 = vector.broadcast %add3A_193 : i32 to vector<16xi32>
    %add3A_195 = arith.addi %add3A_194, %iota3A : vector<16xi32>
    %swap3A_196 = arith.constant 0 : i32
    %swap3A_197 = arith.index_cast %swap3A_196 : i32 to index
    %swap3A_198 = arith.constant 84 : index
    %swap3A_199 = tpu.vector_load %arg6[%swap3A_197, %swap3A_198] {strides = array<i32>} : memref<2x100xi32, #tpu.memory_space<vmem>>, vector<1x16xi32>,
    %swap3A_200 = vector.shape_cast %swap3A_199 : vector<1x16xi32> to vector<16xi32>
    %swap3A_201 = vector.shape_cast %add3A_195 : vector<16xi32> to vector<1x16xi32>
    tpu.vector_store %arg6[%swap3A_197, %swap3A_198], %swap3A_201 {strides = array<i32>} : memref<2x100xi32, #tpu.memory_space<vmem>>, vector<1x16xi32>,
    %mul3A_202 = arith.constant 25600 : i32
    %mul3A_203 = arith.muli %add3A, %mul3A_202 : i32
    %add3A_204 = arith.constant 100 : i32
    %add3A_205 = arith.addi %mul3A_203, %add3A_204 : i32
    %add3A_206 = arith.constant 0 : i32
    %add3A_207 = arith.addi %add3A_205, %add3A_206 : i32
    %add3A_208 = vector.broadcast %add3A_207 : i32 to vector<16xi32>
    %add3A_209 = arith.addi %add3A_208, %iota3A : vector<16xi32>
    %swap3A_210 = arith.constant 1 : i32
    %swap3A_211 = arith.index_cast %swap3A_210 : i32 to index
    %swap3A_212 = arith.constant 0 : index
    %swap3A_213 = tpu.vector_load %arg6[%swap3A_211, %swap3A_212] {strides = array<i32>} : memref<2x100xi32, #tpu.memory_space<vmem>>, vector<1x16xi32>,
    %swap3A_214 = vector.shape_cast %swap3A_213 : vector<1x16xi32> to vector<16xi32>
    %swap3A_215 = vector.shape_cast %add3A_209 : vector<16xi32> to vector<1x16xi32>
    tpu.vector_store %arg6[%swap3A_211, %swap3A_212], %swap3A_215 {strides = array<i32>} : memref<2x100xi32, #tpu.memory_space<vmem>>, vector<1x16xi32>,
    %mul3A_216 = arith.constant 25600 : i32
    %mul3A_217 = arith.muli %add3A, %mul3A_216 : i32
    %add3A_218 = arith.constant 100 : i32
    %add3A_219 = arith.addi %mul3A_217, %add3A_218 : i32
    %add3A_220 = arith.constant 16 : i32
    %add3A_221 = arith.addi %add3A_219, %add3A_220 : i32
    %add3A_222 = vector.broadcast %add3A_221 : i32 to vector<16xi32>
    %add3A_223 = arith.addi %add3A_222, %iota3A : vector<16xi32>
    %swap3A_224 = arith.constant 1 : i32
    %swap3A_225 = arith.index_cast %swap3A_224 : i32 to index
    %swap3A_226 = arith.constant 16 : index
    %swap3A_227 = tpu.vector_load %arg6[%swap3A_225, %swap3A_226] {strides = array<i32>} : memref<2x100xi32, #tpu.memory_space<vmem>>, vector<1x16xi32>,
    %swap3A_228 = vector.shape_cast %swap3A_227 : vector<1x16xi32> to vector<16xi32>
    %swap3A_229 = vector.shape_cast %add3A_223 : vector<16xi32> to vector<1x16xi32>
    tpu.vector_store %arg6[%swap3A_225, %swap3A_226], %swap3A_229 {strides = array<i32>} : memref<2x100xi32, #tpu.memory_space<vmem>>, vector<1x16xi32>,
    %mul3A_230 = arith.constant 25600 : i32
    %mul3A_231 = arith.muli %add3A, %mul3A_230 : i32
    %add3A_232 = arith.constant 100 : i32
    %add3A_233 = arith.addi %mul3A_231, %add3A_232 : i32
    %add3A_234 = arith.constant 32 : i32
    %add3A_235 = arith.addi %add3A_233, %add3A_234 : i32
    %add3A_236 = vector.broadcast %add3A_235 : i32 to vector<16xi32>
    %add3A_237 = arith.addi %add3A_236, %iota3A : vector<16xi32>
    %swap3A_238 = arith.constant 1 : i32
    %swap3A_239 = arith.index_cast %swap3A_238 : i32 to index
    %swap3A_240 = arith.constant 32 : index
    %swap3A_241 = tpu.vector_load %arg6[%swap3A_239, %swap3A_240] {strides = array<i32>} : memref<2x100xi32, #tpu.memory_space<vmem>>, vector<1x16xi32>,
    %swap3A_242 = vector.shape_cast %swap3A_241 : vector<1x16xi32> to vector<16xi32>
    %swap3A_243 = vector.shape_cast %add3A_237 : vector<16xi32> to vector<1x16xi32>
    tpu.vector_store %arg6[%swap3A_239, %swap3A_240], %swap3A_243 {strides = array<i32>} : memref<2x100xi32, #tpu.memory_space<vmem>>, vector<1x16xi32>,
    %mul3A_244 = arith.constant 25600 : i32
    %mul3A_245 = arith.muli %add3A, %mul3A_244 : i32
    %add3A_246 = arith.constant 100 : i32
    %add3A_247 = arith.addi %mul3A_245, %add3A_246 : i32
    %add3A_248 = arith.constant 48 : i32
    %add3A_249 = arith.addi %add3A_247, %add3A_248 : i32
    %add3A_250 = vector.broadcast %add3A_249 : i32 to vector<16xi32>
    %add3A_251 = arith.addi %add3A_250, %iota3A : vector<16xi32>
    %swap3A_252 = arith.constant 1 : i32
    %swap3A_253 = arith.index_cast %swap3A_252 : i32 to index
    %swap3A_254 = arith.constant 48 : index
    %swap3A_255 = tpu.vector_load %arg6[%swap3A_253, %swap3A_254] {strides = array<i32>} : memref<2x100xi32, #tpu.memory_space<vmem>>, vector<1x16xi32>,
    %swap3A_256 = vector.shape_cast %swap3A_255 : vector<1x16xi32> to vector<16xi32>
    %swap3A_257 = vector.shape_cast %add3A_251 : vector<16xi32> to vector<1x16xi32>
    tpu.vector_store %arg6[%swap3A_253, %swap3A_254], %swap3A_257 {strides = array<i32>} : memref<2x100xi32, #tpu.memory_space<vmem>>, vector<1x16xi32>,
    %mul3A_258 = arith.constant 25600 : i32
    %mul3A_259 = arith.muli %add3A, %mul3A_258 : i32
    %add3A_260 = arith.constant 100 : i32
    %add3A_261 = arith.addi %mul3A_259, %add3A_260 : i32
    %add3A_262 = arith.constant 64 : i32
    %add3A_263 = arith.addi %add3A_261, %add3A_262 : i32
    %add3A_264 = vector.broadcast %add3A_263 : i32 to vector<16xi32>
    %add3A_265 = arith.addi %add3A_264, %iota3A : vector<16xi32>
    %swap3A_266 = arith.constant 1 : i32
    %swap3A_267 = arith.index_cast %swap3A_266 : i32 to index
    %swap3A_268 = arith.constant 64 : index
    %swap3A_269 = tpu.vector_load %arg6[%swap3A_267, %swap3A_268] {strides = array<i32>} : memref<2x100xi32, #tpu.memory_space<vmem>>, vector<1x16xi32>,
    %swap3A_270 = vector.shape_cast %swap3A_269 : vector<1x16xi32> to vector<16xi32>
    %swap3A_271 = vector.shape_cast %add3A_265 : vector<16xi32> to vector<1x16xi32>
    tpu.vector_store %arg6[%swap3A_267, %swap3A_268], %swap3A_271 {strides = array<i32>} : memref<2x100xi32, #tpu.memory_space<vmem>>, vector<1x16xi32>,
    %mul3A_272 = arith.constant 25600 : i32
    %mul3A_273 = arith.muli %add3A, %mul3A_272 : i32
    %add3A_274 = arith.constant 100 : i32
    %add3A_275 = arith.addi %mul3A_273, %add3A_274 : i32
    %add3A_276 = arith.constant 80 : i32
    %add3A_277 = arith.addi %add3A_275, %add3A_276 : i32
    %add3A_278 = vector.broadcast %add3A_277 : i32 to vector<16xi32>
    %add3A_279 = arith.addi %add3A_278, %iota3A : vector<16xi32>
    %swap3A_280 = arith.constant 1 : i32
    %swap3A_281 = arith.index_cast %swap3A_280 : i32 to index
    %swap3A_282 = arith.constant 80 : index
    %swap3A_283 = tpu.vector_load %arg6[%swap3A_281, %swap3A_282] {strides = array<i32>} : memref<2x100xi32, #tpu.memory_space<vmem>>, vector<1x16xi32>,
    %swap3A_284 = vector.shape_cast %swap3A_283 : vector<1x16xi32> to vector<16xi32>
    %swap3A_285 = vector.shape_cast %add3A_279 : vector<16xi32> to vector<1x16xi32>
    tpu.vector_store %arg6[%swap3A_281, %swap3A_282], %swap3A_285 {strides = array<i32>} : memref<2x100xi32, #tpu.memory_space<vmem>>, vector<1x16xi32>,
    %mul3A_286 = arith.constant 25600 : i32
    %mul3A_287 = arith.muli %add3A, %mul3A_286 : i32
    %add3A_288 = arith.constant 100 : i32
    %add3A_289 = arith.addi %mul3A_287, %add3A_288 : i32
    %add3A_290 = arith.constant 84 : i32
    %add3A_291 = arith.addi %add3A_289, %add3A_290 : i32
    %add3A_292 = vector.broadcast %add3A_291 : i32 to vector<16xi32>
    %add3A_293 = arith.addi %add3A_292, %iota3A : vector<16xi32>
    %swap3A_294 = arith.constant 1 : i32
    %swap3A_295 = arith.index_cast %swap3A_294 : i32 to index
    %swap3A_296 = arith.constant 84 : index
    %swap3A_297 = tpu.vector_load %arg6[%swap3A_295, %swap3A_296] {strides = array<i32>} : memref<2x100xi32, #tpu.memory_space<vmem>>, vector<1x16xi32>,
    %swap3A_298 = vector.shape_cast %swap3A_297 : vector<1x16xi32> to vector<16xi32>
    %swap3A_299 = vector.shape_cast %add3A_293 : vector<16xi32> to vector<1x16xi32>
    tpu.vector_store %arg6[%swap3A_295, %swap3A_296], %swap3A_299 {strides = array<i32>} : memref<2x100xi32, #tpu.memory_space<vmem>>, vector<1x16xi32>,
    %scan3A = arith.constant 0 : i32
    %scan3A_300 = arith.constant 32 : i32
    %scan3A_301 = arith.addi %scan3A, %scan3A_300 : i32
    %scan3A_302 = arith.constant 1 : i32
    scf.for %scan3A_304 = %scan3A to %scan3A_301 step %scan3A_302  : i32 {
      %mul3A_305 = arith.constant 4 : i32
      %mul3A_306 = arith.muli %scan3A_304, %mul3A_305 : i32
      %add3A_307 = arith.constant 0 : i32
      %add3A_308 = arith.addi %add3A_307, %mul3A_306 : i32
      %dma_wait3A_309 = arith.constant 0 : i32
      %dma_wait3A_310 = arith.constant 0 : i32
      %dma_wait3A_311 = tpu.memref_slice %arg3[%dma_wait3A_309, %dma_wait3A_310] : memref<100000x64xf32, #tpu.memory_space<hbm>> -> memref<200x64xf32, #tpu.memory_space<hbm>>
      %dma_wait3A_312 = arith.constant 0 : i32
      %dma_wait3A_313 = arith.constant 0 : i32
      %dma_wait3A_314 = tpu.memref_slice %arg3[%dma_wait3A_312, %dma_wait3A_313] : memref<100000x64xf32, #tpu.memory_space<hbm>> -> memref<200x64xf32, #tpu.memory_space<hbm>>
      tpu.wait_dma2 semaphore(%arg13 : memref<!tpu.dma_semaphore, #tpu.memory_space<semaphore_mem>>) src(%dma_wait3A_314 : memref<200x64xf32, #tpu.memory_space<hbm>>) dst(%arg9 : memref<200x64xf32, #tpu.memory_space<vmem>>)
      %scan3A_315 = arith.constant 0 : i32
      %scan3A_316 = arith.constant 200 : i32
      %scan3A_317 = arith.addi %scan3A_315, %scan3A_316 : i32
      %scan3A_318 = arith.constant 1 : i32
      scf.for %scan3A_570 = %scan3A_315 to %scan3A_317 step %scan3A_318  : i32 {
        %mul3A_571 = arith.constant 1 : i32
        %mul3A_572 = arith.muli %scan3A_570, %mul3A_571 : i32
        %add3A_573 = arith.constant 0 : i32
        %add3A_574 = arith.addi %add3A_573, %mul3A_572 : i32
        %get3A = arith.index_cast %add3A_574 : i32 to index
        %get3A_575 = arith.constant 0 : index
        %get3A_576 = tpu.vector_load %arg8[%get3A, %get3A_575] {strides = array<i32>} : memref<200x64xf32, #tpu.memory_space<vmem>>, vector<1x16xf32>,
        %get3A_577 = vector.shape_cast %get3A_576 : vector<1x16xf32> to vector<16xf32>
        %swap3A_578 = arith.index_cast %add3A_574 : i32 to index
        %swap3A_579 = arith.constant 0 : index
        %swap3A_580 = tpu.vector_load %arg9[%swap3A_578, %swap3A_579] {strides = array<i32>} : memref<200x64xf32, #tpu.memory_space<vmem>>, vector<1x16xf32>,
        %swap3A_581 = vector.shape_cast %swap3A_580 : vector<1x16xf32> to vector<16xf32>
        %swap3A_582 = vector.shape_cast %get3A_577 : vector<16xf32> to vector<1x16xf32>
        tpu.vector_store %arg9[%swap3A_578, %swap3A_579], %swap3A_582 {add = true, strides = array<i32>} : memref<200x64xf32, #tpu.memory_space<vmem>>, vector<1x16xf32>,
        %get3A_583 = arith.index_cast %add3A_574 : i32 to index
        %get3A_584 = arith.constant 16 : index
        %get3A_585 = tpu.vector_load %arg8[%get3A_583, %get3A_584] {strides = array<i32>} : memref<200x64xf32, #tpu.memory_space<vmem>>, vector<1x16xf32>,
        %get3A_586 = vector.shape_cast %get3A_585 : vector<1x16xf32> to vector<16xf32>
        %swap3A_587 = arith.index_cast %add3A_574 : i32 to index
        %swap3A_588 = arith.constant 16 : index
        %swap3A_589 = tpu.vector_load %arg9[%swap3A_587, %swap3A_588] {strides = array<i32>} : memref<200x64xf32, #tpu.memory_space<vmem>>, vector<1x16xf32>,
        %swap3A_590 = vector.shape_cast %swap3A_589 : vector<1x16xf32> to vector<16xf32>
        %swap3A_591 = vector.shape_cast %get3A_586 : vector<16xf32> to vector<1x16xf32>
        tpu.vector_store %arg9[%swap3A_587, %swap3A_588], %swap3A_591 {add = true, strides = array<i32>} : memref<200x64xf32, #tpu.memory_space<vmem>>, vector<1x16xf32>,
        %get3A_592 = arith.index_cast %add3A_574 : i32 to index
        %get3A_593 = arith.constant 32 : index
        %get3A_594 = tpu.vector_load %arg8[%get3A_592, %get3A_593] {strides = array<i32>} : memref<200x64xf32, #tpu.memory_space<vmem>>, vector<1x16xf32>,
        %get3A_595 = vector.shape_cast %get3A_594 : vector<1x16xf32> to vector<16xf32>
        %swap3A_596 = arith.index_cast %add3A_574 : i32 to index
        %swap3A_597 = arith.constant 32 : index
        %swap3A_598 = tpu.vector_load %arg9[%swap3A_596, %swap3A_597] {strides = array<i32>} : memref<200x64xf32, #tpu.memory_space<vmem>>, vector<1x16xf32>,
        %swap3A_599 = vector.shape_cast %swap3A_598 : vector<1x16xf32> to vector<16xf32>
        %swap3A_600 = vector.shape_cast %get3A_595 : vector<16xf32> to vector<1x16xf32>
        tpu.vector_store %arg9[%swap3A_596, %swap3A_597], %swap3A_600 {add = true, strides = array<i32>} : memref<200x64xf32, #tpu.memory_space<vmem>>, vector<1x16xf32>,
        %get3A_601 = arith.index_cast %add3A_574 : i32 to index
        %get3A_602 = arith.constant 48 : index
        %get3A_603 = tpu.vector_load %arg8[%get3A_601, %get3A_602] {strides = array<i32>} : memref<200x64xf32, #tpu.memory_space<vmem>>, vector<1x16xf32>,
        %get3A_604 = vector.shape_cast %get3A_603 : vector<1x16xf32> to vector<16xf32>
        %swap3A_605 = arith.index_cast %add3A_574 : i32 to index
        %swap3A_606 = arith.constant 48 : index
        %swap3A_607 = tpu.vector_load %arg9[%swap3A_605, %swap3A_606] {strides = array<i32>} : memref<200x64xf32, #tpu.memory_space<vmem>>, vector<1x16xf32>,
        %swap3A_608 = vector.shape_cast %swap3A_607 : vector<1x16xf32> to vector<16xf32>
        %swap3A_609 = vector.shape_cast %get3A_604 : vector<16xf32> to vector<1x16xf32>
        tpu.vector_store %arg9[%swap3A_605, %swap3A_606], %swap3A_609 {add = true, strides = array<i32>} : memref<200x64xf32, #tpu.memory_space<vmem>>, vector<1x16xf32>,
      }
      %scan3A_319 = arith.constant 200 : i32
      %add3A_320 = arith.constant 0 : i32
      %add3A_321 = arith.addi %add3A_308, %add3A_320 : i32
      %dma_start3A_322 = arith.constant 0 : i32
      %dma_start3A_323 = arith.constant 0 : i32
      %dma_start3A_324 = arith.constant 0 : i32
      %dma_start3A_325 = tpu.memref_slice %arg9[%dma_start3A_323, %dma_start3A_324] : memref<200x64xf32, #tpu.memory_space<vmem>> -> memref<100x64xf32, #tpu.memory_space<vmem>>
      %dma_start3A_326 = arith.constant 0 : i32
      %dma_start3A_327 = tpu.memref_slice %arg6[%dma_start3A_322, %dma_start3A_326] : memref<2x100xi32, #tpu.memory_space<vmem>> -> memref<1x100xi32, #tpu.memory_space<vmem>>
      %dma_start3A_328 = tpu.memref_squeeze %dma_start3A_327 : memref<1x100xi32, #tpu.memory_space<vmem>> -> memref<100xi32, #tpu.memory_space<vmem>>
      %dma_start3A_329 = arith.constant 0 : i32
      %dma_start3A_330 = arith.constant 0 : i32
      %dma_start3A_331 = tpu.memref_slice %arg5[%dma_start3A_329, %dma_start3A_330] : memref<819200x64xf32, #tpu.memory_space<hbm>> -> memref<819200x64xf32, #tpu.memory_space<hbm>>
      tpu.enqueue_indirect_dma source(%dma_start3A_325 : memref<100x64xf32, #tpu.memory_space<vmem>>) target(%dma_start3A_331 : memref<819200x64xf32, #tpu.memory_space<hbm>>) offsets(%dma_start3A_328 : memref<100xi32, #tpu.memory_space<vmem>>) semaphore(%arg17 : memref<!tpu.dma_semaphore, #tpu.memory_space<semaphore_mem>>)
      %dma_start3A_332 = arith.constant 1 : i32
      %dma_start3A_333 = arith.constant 100 : i32
      %dma_start3A_334 = arith.constant 0 : i32
      %dma_start3A_335 = tpu.memref_slice %arg9[%dma_start3A_333, %dma_start3A_334] : memref<200x64xf32, #tpu.memory_space<vmem>> -> memref<100x64xf32, #tpu.memory_space<vmem>>
      %dma_start3A_336 = arith.constant 0 : i32
      %dma_start3A_337 = tpu.memref_slice %arg6[%dma_start3A_332, %dma_start3A_336] : memref<2x100xi32, #tpu.memory_space<vmem>> -> memref<1x100xi32, #tpu.memory_space<vmem>>
      %dma_start3A_338 = tpu.memref_squeeze %dma_start3A_337 : memref<1x100xi32, #tpu.memory_space<vmem>> -> memref<100xi32, #tpu.memory_space<vmem>>
      %dma_start3A_339 = arith.constant 0 : i32
      %dma_start3A_340 = arith.constant 0 : i32
      %dma_start3A_341 = tpu.memref_slice %arg5[%dma_start3A_339, %dma_start3A_340] : memref<819200x64xf32, #tpu.memory_space<hbm>> -> memref<819200x64xf32, #tpu.memory_space<hbm>>
      tpu.enqueue_indirect_dma source(%dma_start3A_335 : memref<100x64xf32, #tpu.memory_space<vmem>>) target(%dma_start3A_341 : memref<819200x64xf32, #tpu.memory_space<hbm>>) offsets(%dma_start3A_338 : memref<100xi32, #tpu.memory_space<vmem>>) semaphore(%arg17 : memref<!tpu.dma_semaphore, #tpu.memory_space<semaphore_mem>>)
      %dma_wait3A_342 = arith.constant 0 : i32
      %dma_wait3A_343 = arith.constant 0 : i32
      %dma_wait3A_344 = tpu.memref_slice %arg3[%dma_wait3A_342, %dma_wait3A_343] : memref<100000x64xf32, #tpu.memory_space<hbm>> -> memref<200x64xf32, #tpu.memory_space<hbm>>
      %dma_wait3A_345 = arith.constant 0 : i32
      %dma_wait3A_346 = arith.constant 0 : i32
      %dma_wait3A_347 = tpu.memref_slice %arg3[%dma_wait3A_345, %dma_wait3A_346] : memref<100000x64xf32, #tpu.memory_space<hbm>> -> memref<200x64xf32, #tpu.memory_space<hbm>>
      tpu.wait_dma2 semaphore(%arg14 : memref<!tpu.dma_semaphore, #tpu.memory_space<semaphore_mem>>) src(%dma_wait3A_347 : memref<200x64xf32, #tpu.memory_space<hbm>>) dst(%arg10 : memref<200x64xf32, #tpu.memory_space<vmem>>)
      %scan3A_348 = arith.constant 0 : i32
      %scan3A_349 = arith.constant 200 : i32
      %scan3A_350 = arith.addi %scan3A_348, %scan3A_349 : i32
      %scan3A_351 = arith.constant 1 : i32
      scf.for %scan3A_570 = %scan3A_348 to %scan3A_350 step %scan3A_351  : i32 {
        %mul3A_571 = arith.constant 1 : i32
        %mul3A_572 = arith.muli %scan3A_570, %mul3A_571 : i32
        %add3A_573 = arith.constant 0 : i32
        %add3A_574 = arith.addi %add3A_573, %mul3A_572 : i32
        %get3A = arith.index_cast %add3A_574 : i32 to index
        %get3A_575 = arith.constant 0 : index
        %get3A_576 = tpu.vector_load %arg8[%get3A, %get3A_575] {strides = array<i32>} : memref<200x64xf32, #tpu.memory_space<vmem>>, vector<1x16xf32>,
        %get3A_577 = vector.shape_cast %get3A_576 : vector<1x16xf32> to vector<16xf32>
        %swap3A_578 = arith.index_cast %add3A_574 : i32 to index
        %swap3A_579 = arith.constant 0 : index
        %swap3A_580 = tpu.vector_load %arg10[%swap3A_578, %swap3A_579] {strides = array<i32>} : memref<200x64xf32, #tpu.memory_space<vmem>>, vector<1x16xf32>,
        %swap3A_581 = vector.shape_cast %swap3A_580 : vector<1x16xf32> to vector<16xf32>
        %swap3A_582 = vector.shape_cast %get3A_577 : vector<16xf32> to vector<1x16xf32>
        tpu.vector_store %arg10[%swap3A_578, %swap3A_579], %swap3A_582 {add = true, strides = array<i32>} : memref<200x64xf32, #tpu.memory_space<vmem>>, vector<1x16xf32>,
        %get3A_583 = arith.index_cast %add3A_574 : i32 to index
        %get3A_584 = arith.constant 16 : index
        %get3A_585 = tpu.vector_load %arg8[%get3A_583, %get3A_584] {strides = array<i32>} : memref<200x64xf32, #tpu.memory_space<vmem>>, vector<1x16xf32>,
        %get3A_586 = vector.shape_cast %get3A_585 : vector<1x16xf32> to vector<16xf32>
        %swap3A_587 = arith.index_cast %add3A_574 : i32 to index
        %swap3A_588 = arith.constant 16 : index
        %swap3A_589 = tpu.vector_load %arg10[%swap3A_587, %swap3A_588] {strides = array<i32>} : memref<200x64xf32, #tpu.memory_space<vmem>>, vector<1x16xf32>,
        %swap3A_590 = vector.shape_cast %swap3A_589 : vector<1x16xf32> to vector<16xf32>
        %swap3A_591 = vector.shape_cast %get3A_586 : vector<16xf32> to vector<1x16xf32>
        tpu.vector_store %arg10[%swap3A_587, %swap3A_588], %swap3A_591 {add = true, strides = array<i32>} : memref<200x64xf32, #tpu.memory_space<vmem>>, vector<1x16xf32>,
        %get3A_592 = arith.index_cast %add3A_574 : i32 to index
        %get3A_593 = arith.constant 32 : index
        %get3A_594 = tpu.vector_load %arg8[%get3A_592, %get3A_593] {strides = array<i32>} : memref<200x64xf32, #tpu.memory_space<vmem>>, vector<1x16xf32>,
        %get3A_595 = vector.shape_cast %get3A_594 : vector<1x16xf32> to vector<16xf32>
        %swap3A_596 = arith.index_cast %add3A_574 : i32 to index
        %swap3A_597 = arith.constant 32 : index
        %swap3A_598 = tpu.vector_load %arg10[%swap3A_596, %swap3A_597] {strides = array<i32>} : memref<200x64xf32, #tpu.memory_space<vmem>>, vector<1x16xf32>,
        %swap3A_599 = vector.shape_cast %swap3A_598 : vector<1x16xf32> to vector<16xf32>
        %swap3A_600 = vector.shape_cast %get3A_595 : vector<16xf32> to vector<1x16xf32>
        tpu.vector_store %arg10[%swap3A_596, %swap3A_597], %swap3A_600 {add = true, strides = array<i32>} : memref<200x64xf32, #tpu.memory_space<vmem>>, vector<1x16xf32>,
        %get3A_601 = arith.index_cast %add3A_574 : i32 to index
        %get3A_602 = arith.constant 48 : index
        %get3A_603 = tpu.vector_load %arg8[%get3A_601, %get3A_602] {strides = array<i32>} : memref<200x64xf32, #tpu.memory_space<vmem>>, vector<1x16xf32>,
        %get3A_604 = vector.shape_cast %get3A_603 : vector<1x16xf32> to vector<16xf32>
        %swap3A_605 = arith.index_cast %add3A_574 : i32 to index
        %swap3A_606 = arith.constant 48 : index
        %swap3A_607 = tpu.vector_load %arg10[%swap3A_605, %swap3A_606] {strides = array<i32>} : memref<200x64xf32, #tpu.memory_space<vmem>>, vector<1x16xf32>,
        %swap3A_608 = vector.shape_cast %swap3A_607 : vector<1x16xf32> to vector<16xf32>
        %swap3A_609 = vector.shape_cast %get3A_604 : vector<16xf32> to vector<1x16xf32>
        tpu.vector_store %arg10[%swap3A_605, %swap3A_606], %swap3A_609 {add = true, strides = array<i32>} : memref<200x64xf32, #tpu.memory_space<vmem>>, vector<1x16xf32>,
      }
      %scan3A_352 = arith.constant 200 : i32
      %add3A_353 = arith.constant 1 : i32
      %add3A_354 = arith.addi %add3A_308, %add3A_353 : i32
      %dma_start3A_355 = arith.constant 0 : i32
      %dma_start3A_356 = arith.constant 0 : i32
      %dma_start3A_357 = arith.constant 0 : i32
      %dma_start3A_358 = tpu.memref_slice %arg10[%dma_start3A_356, %dma_start3A_357] : memref<200x64xf32, #tpu.memory_space<vmem>> -> memref<100x64xf32, #tpu.memory_space<vmem>>
      %dma_start3A_359 = arith.constant 0 : i32
      %dma_start3A_360 = tpu.memref_slice %arg6[%dma_start3A_355, %dma_start3A_359] : memref<2x100xi32, #tpu.memory_space<vmem>> -> memref<1x100xi32, #tpu.memory_space<vmem>>
      %dma_start3A_361 = tpu.memref_squeeze %dma_start3A_360 : memref<1x100xi32, #tpu.memory_space<vmem>> -> memref<100xi32, #tpu.memory_space<vmem>>
      %dma_start3A_362 = arith.constant 0 : i32
      %dma_start3A_363 = arith.constant 0 : i32
      %dma_start3A_364 = tpu.memref_slice %arg5[%dma_start3A_362, %dma_start3A_363] : memref<819200x64xf32, #tpu.memory_space<hbm>> -> memref<819200x64xf32, #tpu.memory_space<hbm>>
      tpu.enqueue_indirect_dma source(%dma_start3A_358 : memref<100x64xf32, #tpu.memory_space<vmem>>) target(%dma_start3A_364 : memref<819200x64xf32, #tpu.memory_space<hbm>>) offsets(%dma_start3A_361 : memref<100xi32, #tpu.memory_space<vmem>>) semaphore(%arg18 : memref<!tpu.dma_semaphore, #tpu.memory_space<semaphore_mem>>)
      %dma_start3A_365 = arith.constant 1 : i32
      %dma_start3A_366 = arith.constant 100 : i32
      %dma_start3A_367 = arith.constant 0 : i32
      %dma_start3A_368 = tpu.memref_slice %arg10[%dma_start3A_366, %dma_start3A_367] : memref<200x64xf32, #tpu.memory_space<vmem>> -> memref<100x64xf32, #tpu.memory_space<vmem>>
      %dma_start3A_369 = arith.constant 0 : i32
      %dma_start3A_370 = tpu.memref_slice %arg6[%dma_start3A_365, %dma_start3A_369] : memref<2x100xi32, #tpu.memory_space<vmem>> -> memref<1x100xi32, #tpu.memory_space<vmem>>
      %dma_start3A_371 = tpu.memref_squeeze %dma_start3A_370 : memref<1x100xi32, #tpu.memory_space<vmem>> -> memref<100xi32, #tpu.memory_space<vmem>>
      %dma_start3A_372 = arith.constant 0 : i32
      %dma_start3A_373 = arith.constant 0 : i32
      %dma_start3A_374 = tpu.memref_slice %arg5[%dma_start3A_372, %dma_start3A_373] : memref<819200x64xf32, #tpu.memory_space<hbm>> -> memref<819200x64xf32, #tpu.memory_space<hbm>>
      tpu.enqueue_indirect_dma source(%dma_start3A_368 : memref<100x64xf32, #tpu.memory_space<vmem>>) target(%dma_start3A_374 : memref<819200x64xf32, #tpu.memory_space<hbm>>) offsets(%dma_start3A_371 : memref<100xi32, #tpu.memory_space<vmem>>) semaphore(%arg18 : memref<!tpu.dma_semaphore, #tpu.memory_space<semaphore_mem>>)
      %dma_wait3A_375 = arith.constant 0 : i32
      %dma_wait3A_376 = arith.constant 0 : i32
      %dma_wait3A_377 = tpu.memref_slice %arg9[%dma_wait3A_375, %dma_wait3A_376] : memref<200x64xf32, #tpu.memory_space<vmem>> -> memref<100x64xf32, #tpu.memory_space<vmem>>
      %dma_wait3A_378 = arith.constant 0 : i32
      %dma_wait3A_379 = arith.constant 0 : i32
      %dma_wait3A_380 = tpu.memref_slice %arg5[%dma_wait3A_378, %dma_wait3A_379] : memref<819200x64xf32, #tpu.memory_space<hbm>> -> memref<100x64xf32, #tpu.memory_space<hbm>>
      %dma_wait3A_381 = arith.constant 0 : i32
      %dma_wait3A_382 = arith.constant 0 : i32
      %dma_wait3A_383 = tpu.memref_slice %arg5[%dma_wait3A_381, %dma_wait3A_382] : memref<819200x64xf32, #tpu.memory_space<hbm>> -> memref<100x64xf32, #tpu.memory_space<hbm>>
      %dma_wait3A_384 = arith.constant 0 : i32
      %dma_wait3A_385 = arith.constant 0 : i32
      %dma_wait3A_386 = tpu.memref_slice %arg9[%dma_wait3A_384, %dma_wait3A_385] : memref<200x64xf32, #tpu.memory_space<vmem>> -> memref<100x64xf32, #tpu.memory_space<vmem>>
      tpu.wait_dma2 semaphore(%arg17 : memref<!tpu.dma_semaphore, #tpu.memory_space<semaphore_mem>>) src(%dma_wait3A_386 : memref<100x64xf32, #tpu.memory_space<vmem>>) dst(%dma_wait3A_383 : memref<100x64xf32, #tpu.memory_space<hbm>>)
      %dma_wait3A_387 = arith.constant 0 : i32
      %dma_wait3A_388 = arith.constant 0 : i32
      %dma_wait3A_389 = tpu.memref_slice %arg9[%dma_wait3A_387, %dma_wait3A_388] : memref<200x64xf32, #tpu.memory_space<vmem>> -> memref<100x64xf32, #tpu.memory_space<vmem>>
      %dma_wait3A_390 = arith.constant 0 : i32
      %dma_wait3A_391 = arith.constant 0 : i32
      %dma_wait3A_392 = tpu.memref_slice %arg5[%dma_wait3A_390, %dma_wait3A_391] : memref<819200x64xf32, #tpu.memory_space<hbm>> -> memref<100x64xf32, #tpu.memory_space<hbm>>
      %dma_wait3A_393 = arith.constant 0 : i32
      %dma_wait3A_394 = arith.constant 0 : i32
      %dma_wait3A_395 = tpu.memref_slice %arg5[%dma_wait3A_393, %dma_wait3A_394] : memref<819200x64xf32, #tpu.memory_space<hbm>> -> memref<100x64xf32, #tpu.memory_space<hbm>>
      %dma_wait3A_396 = arith.constant 0 : i32
      %dma_wait3A_397 = arith.constant 0 : i32
      %dma_wait3A_398 = tpu.memref_slice %arg9[%dma_wait3A_396, %dma_wait3A_397] : memref<200x64xf32, #tpu.memory_space<vmem>> -> memref<100x64xf32, #tpu.memory_space<vmem>>
      tpu.wait_dma2 semaphore(%arg17 : memref<!tpu.dma_semaphore, #tpu.memory_space<semaphore_mem>>) src(%dma_wait3A_398 : memref<100x64xf32, #tpu.memory_space<vmem>>) dst(%dma_wait3A_395 : memref<100x64xf32, #tpu.memory_space<hbm>>)
      %add3A_399 = arith.constant 4 : i32
      %add3A_400 = arith.addi %add3A_308, %add3A_399 : i32
      %add3A_401 = arith.constant 0 : i32
      %add3A_402 = arith.addi %add3A_400, %add3A_401 : i32
      %lt3A = arith.constant 128 : i32
      %lt3A_403 = arith.cmpi slt, %add3A_402, %lt3A : i32
      %convert_element_type3A = arith.extui %lt3A_403 : i1 to i32
      %cond3A = arith.constant 0 : i32
      %cond3A_404 = arith.cmpi ne, %convert_element_type3A, %cond3A : i32
      scf.if %cond3A_404 {
        %add3A_570 = arith.constant 4 : i32
        %add3A_571 = arith.addi %add3A_308, %add3A_570 : i32
        %add3A_572 = arith.constant 0 : i32
        %add3A_573 = arith.addi %add3A_571, %add3A_572 : i32
        %mul3A_574 = arith.constant 2 : i32
        %mul3A_575 = arith.muli %mul3A_574, %add3A_573 : i32
        %dma_start3A_576 = arith.constant 0 : i32
        %dma_start3A_577 = arith.constant 0 : i32
        %dma_start3A_578 = tpu.memref_slice %arg9[%dma_start3A_576, %dma_start3A_577] : memref<200x64xf32, #tpu.memory_space<vmem>> -> memref<100x64xf32, #tpu.memory_space<vmem>>
        %dma_start3A_579 = arith.constant 0 : i32
        %dma_start3A_580 = tpu.memref_slice %arg7[%mul3A_575, %dma_start3A_579] : memref<256x100xi32, #tpu.memory_space<vmem>> -> memref<1x100xi32, #tpu.memory_space<vmem>>
        %dma_start3A_581 = tpu.memref_squeeze %dma_start3A_580 : memref<1x100xi32, #tpu.memory_space<vmem>> -> memref<100xi32, #tpu.memory_space<vmem>>
        %dma_start3A_582 = arith.constant 0 : i32
        %dma_start3A_583 = arith.constant 0 : i32
        %dma_start3A_584 = tpu.memref_slice %arg3[%dma_start3A_582, %dma_start3A_583] : memref<100000x64xf32, #tpu.memory_space<hbm>> -> memref<100000x64xf32, #tpu.memory_space<hbm>>
        tpu.enqueue_indirect_dma source(%dma_start3A_584 : memref<100000x64xf32, #tpu.memory_space<hbm>>) target(%dma_start3A_578 : memref<100x64xf32, #tpu.memory_space<vmem>>) offsets(%dma_start3A_581 : memref<100xi32, #tpu.memory_space<vmem>>) semaphore(%arg13 : memref<!tpu.dma_semaphore, #tpu.memory_space<semaphore_mem>>)
        %mul3A_585 = arith.constant 2 : i32
        %mul3A_586 = arith.muli %mul3A_585, %add3A_573 : i32
        %add3A_587 = arith.constant 1 : i32
        %add3A_588 = arith.addi %mul3A_586, %add3A_587 : i32
        %dma_start3A_589 = arith.constant 100 : i32
        %dma_start3A_590 = arith.constant 0 : i32
        %dma_start3A_591 = tpu.memref_slice %arg9[%dma_start3A_589, %dma_start3A_590] : memref<200x64xf32, #tpu.memory_space<vmem>> -> memref<100x64xf32, #tpu.memory_space<vmem>>
        %dma_start3A_592 = arith.constant 0 : i32
        %dma_start3A_593 = tpu.memref_slice %arg7[%add3A_588, %dma_start3A_592] : memref<256x100xi32, #tpu.memory_space<vmem>> -> memref<1x100xi32, #tpu.memory_space<vmem>>
        %dma_start3A_594 = tpu.memref_squeeze %dma_start3A_593 : memref<1x100xi32, #tpu.memory_space<vmem>> -> memref<100xi32, #tpu.memory_space<vmem>>
        %dma_start3A_595 = arith.constant 0 : i32
        %dma_start3A_596 = arith.constant 0 : i32
        %dma_start3A_597 = tpu.memref_slice %arg3[%dma_start3A_595, %dma_start3A_596] : memref<100000x64xf32, #tpu.memory_space<hbm>> -> memref<100000x64xf32, #tpu.memory_space<hbm>>
        tpu.enqueue_indirect_dma source(%dma_start3A_597 : memref<100000x64xf32, #tpu.memory_space<hbm>>) target(%dma_start3A_591 : memref<100x64xf32, #tpu.memory_space<vmem>>) offsets(%dma_start3A_594 : memref<100xi32, #tpu.memory_space<vmem>>) semaphore(%arg13 : memref<!tpu.dma_semaphore, #tpu.memory_space<semaphore_mem>>)
      } else {
      }
      %dma_wait3A_405 = arith.constant 0 : i32
      %dma_wait3A_406 = arith.constant 0 : i32
      %dma_wait3A_407 = tpu.memref_slice %arg3[%dma_wait3A_405, %dma_wait3A_406] : memref<100000x64xf32, #tpu.memory_space<hbm>> -> memref<200x64xf32, #tpu.memory_space<hbm>>
      %dma_wait3A_408 = arith.constant 0 : i32
      %dma_wait3A_409 = arith.constant 0 : i32
      %dma_wait3A_410 = tpu.memref_slice %arg3[%dma_wait3A_408, %dma_wait3A_409] : memref<100000x64xf32, #tpu.memory_space<hbm>> -> memref<200x64xf32, #tpu.memory_space<hbm>>
      tpu.wait_dma2 semaphore(%arg15 : memref<!tpu.dma_semaphore, #tpu.memory_space<semaphore_mem>>) src(%dma_wait3A_410 : memref<200x64xf32, #tpu.memory_space<hbm>>) dst(%arg11 : memref<200x64xf32, #tpu.memory_space<vmem>>)
      %scan3A_411 = arith.constant 0 : i32
      %scan3A_412 = arith.constant 200 : i32
      %scan3A_413 = arith.addi %scan3A_411, %scan3A_412 : i32
      %scan3A_414 = arith.constant 1 : i32
      scf.for %scan3A_570 = %scan3A_411 to %scan3A_413 step %scan3A_414  : i32 {
        %mul3A_571 = arith.constant 1 : i32
        %mul3A_572 = arith.muli %scan3A_570, %mul3A_571 : i32
        %add3A_573 = arith.constant 0 : i32
        %add3A_574 = arith.addi %add3A_573, %mul3A_572 : i32
        %get3A = arith.index_cast %add3A_574 : i32 to index
        %get3A_575 = arith.constant 0 : index
        %get3A_576 = tpu.vector_load %arg8[%get3A, %get3A_575] {strides = array<i32>} : memref<200x64xf32, #tpu.memory_space<vmem>>, vector<1x16xf32>,
        %get3A_577 = vector.shape_cast %get3A_576 : vector<1x16xf32> to vector<16xf32>
        %swap3A_578 = arith.index_cast %add3A_574 : i32 to index
        %swap3A_579 = arith.constant 0 : index
        %swap3A_580 = tpu.vector_load %arg11[%swap3A_578, %swap3A_579] {strides = array<i32>} : memref<200x64xf32, #tpu.memory_space<vmem>>, vector<1x16xf32>,
        %swap3A_581 = vector.shape_cast %swap3A_580 : vector<1x16xf32> to vector<16xf32>
        %swap3A_582 = vector.shape_cast %get3A_577 : vector<16xf32> to vector<1x16xf32>
        tpu.vector_store %arg11[%swap3A_578, %swap3A_579], %swap3A_582 {add = true, strides = array<i32>} : memref<200x64xf32, #tpu.memory_space<vmem>>, vector<1x16xf32>,
        %get3A_583 = arith.index_cast %add3A_574 : i32 to index
        %get3A_584 = arith.constant 16 : index
        %get3A_585 = tpu.vector_load %arg8[%get3A_583, %get3A_584] {strides = array<i32>} : memref<200x64xf32, #tpu.memory_space<vmem>>, vector<1x16xf32>,
        %get3A_586 = vector.shape_cast %get3A_585 : vector<1x16xf32> to vector<16xf32>
        %swap3A_587 = arith.index_cast %add3A_574 : i32 to index
        %swap3A_588 = arith.constant 16 : index
        %swap3A_589 = tpu.vector_load %arg11[%swap3A_587, %swap3A_588] {strides = array<i32>} : memref<200x64xf32, #tpu.memory_space<vmem>>, vector<1x16xf32>,
        %swap3A_590 = vector.shape_cast %swap3A_589 : vector<1x16xf32> to vector<16xf32>
        %swap3A_591 = vector.shape_cast %get3A_586 : vector<16xf32> to vector<1x16xf32>
        tpu.vector_store %arg11[%swap3A_587, %swap3A_588], %swap3A_591 {add = true, strides = array<i32>} : memref<200x64xf32, #tpu.memory_space<vmem>>, vector<1x16xf32>,
        %get3A_592 = arith.index_cast %add3A_574 : i32 to index
        %get3A_593 = arith.constant 32 : index
        %get3A_594 = tpu.vector_load %arg8[%get3A_592, %get3A_593] {strides = array<i32>} : memref<200x64xf32, #tpu.memory_space<vmem>>, vector<1x16xf32>,
        %get3A_595 = vector.shape_cast %get3A_594 : vector<1x16xf32> to vector<16xf32>
        %swap3A_596 = arith.index_cast %add3A_574 : i32 to index
        %swap3A_597 = arith.constant 32 : index
        %swap3A_598 = tpu.vector_load %arg11[%swap3A_596, %swap3A_597] {strides = array<i32>} : memref<200x64xf32, #tpu.memory_space<vmem>>, vector<1x16xf32>,
        %swap3A_599 = vector.shape_cast %swap3A_598 : vector<1x16xf32> to vector<16xf32>
        %swap3A_600 = vector.shape_cast %get3A_595 : vector<16xf32> to vector<1x16xf32>
        tpu.vector_store %arg11[%swap3A_596, %swap3A_597], %swap3A_600 {add = true, strides = array<i32>} : memref<200x64xf32, #tpu.memory_space<vmem>>, vector<1x16xf32>,
        %get3A_601 = arith.index_cast %add3A_574 : i32 to index
        %get3A_602 = arith.constant 48 : index
        %get3A_603 = tpu.vector_load %arg8[%get3A_601, %get3A_602] {strides = array<i32>} : memref<200x64xf32, #tpu.memory_space<vmem>>, vector<1x16xf32>,
        %get3A_604 = vector.shape_cast %get3A_603 : vector<1x16xf32> to vector<16xf32>
        %swap3A_605 = arith.index_cast %add3A_574 : i32 to index
        %swap3A_606 = arith.constant 48 : index
        %swap3A_607 = tpu.vector_load %arg11[%swap3A_605, %swap3A_606] {strides = array<i32>} : memref<200x64xf32, #tpu.memory_space<vmem>>, vector<1x16xf32>,
        %swap3A_608 = vector.shape_cast %swap3A_607 : vector<1x16xf32> to vector<16xf32>
        %swap3A_609 = vector.shape_cast %get3A_604 : vector<16xf32> to vector<1x16xf32>
        tpu.vector_store %arg11[%swap3A_605, %swap3A_606], %swap3A_609 {add = true, strides = array<i32>} : memref<200x64xf32, #tpu.memory_space<vmem>>, vector<1x16xf32>,
      }
      %scan3A_415 = arith.constant 200 : i32
      %add3A_416 = arith.constant 2 : i32
      %add3A_417 = arith.addi %add3A_308, %add3A_416 : i32
      %dma_start3A_418 = arith.constant 0 : i32
      %dma_start3A_419 = arith.constant 0 : i32
      %dma_start3A_420 = arith.constant 0 : i32
      %dma_start3A_421 = tpu.memref_slice %arg11[%dma_start3A_419, %dma_start3A_420] : memref<200x64xf32, #tpu.memory_space<vmem>> -> memref<100x64xf32, #tpu.memory_space<vmem>>
      %dma_start3A_422 = arith.constant 0 : i32
      %dma_start3A_423 = tpu.memref_slice %arg6[%dma_start3A_418, %dma_start3A_422] : memref<2x100xi32, #tpu.memory_space<vmem>> -> memref<1x100xi32, #tpu.memory_space<vmem>>
      %dma_start3A_424 = tpu.memref_squeeze %dma_start3A_423 : memref<1x100xi32, #tpu.memory_space<vmem>> -> memref<100xi32, #tpu.memory_space<vmem>>
      %dma_start3A_425 = arith.constant 0 : i32
      %dma_start3A_426 = arith.constant 0 : i32
      %dma_start3A_427 = tpu.memref_slice %arg5[%dma_start3A_425, %dma_start3A_426] : memref<819200x64xf32, #tpu.memory_space<hbm>> -> memref<819200x64xf32, #tpu.memory_space<hbm>>
      tpu.enqueue_indirect_dma source(%dma_start3A_421 : memref<100x64xf32, #tpu.memory_space<vmem>>) target(%dma_start3A_427 : memref<819200x64xf32, #tpu.memory_space<hbm>>) offsets(%dma_start3A_424 : memref<100xi32, #tpu.memory_space<vmem>>) semaphore(%arg19 : memref<!tpu.dma_semaphore, #tpu.memory_space<semaphore_mem>>)
      %dma_start3A_428 = arith.constant 1 : i32
      %dma_start3A_429 = arith.constant 100 : i32
      %dma_start3A_430 = arith.constant 0 : i32
      %dma_start3A_431 = tpu.memref_slice %arg11[%dma_start3A_429, %dma_start3A_430] : memref<200x64xf32, #tpu.memory_space<vmem>> -> memref<100x64xf32, #tpu.memory_space<vmem>>
      %dma_start3A_432 = arith.constant 0 : i32
      %dma_start3A_433 = tpu.memref_slice %arg6[%dma_start3A_428, %dma_start3A_432] : memref<2x100xi32, #tpu.memory_space<vmem>> -> memref<1x100xi32, #tpu.memory_space<vmem>>
      %dma_start3A_434 = tpu.memref_squeeze %dma_start3A_433 : memref<1x100xi32, #tpu.memory_space<vmem>> -> memref<100xi32, #tpu.memory_space<vmem>>
      %dma_start3A_435 = arith.constant 0 : i32
      %dma_start3A_436 = arith.constant 0 : i32
      %dma_start3A_437 = tpu.memref_slice %arg5[%dma_start3A_435, %dma_start3A_436] : memref<819200x64xf32, #tpu.memory_space<hbm>> -> memref<819200x64xf32, #tpu.memory_space<hbm>>
      tpu.enqueue_indirect_dma source(%dma_start3A_431 : memref<100x64xf32, #tpu.memory_space<vmem>>) target(%dma_start3A_437 : memref<819200x64xf32, #tpu.memory_space<hbm>>) offsets(%dma_start3A_434 : memref<100xi32, #tpu.memory_space<vmem>>) semaphore(%arg19 : memref<!tpu.dma_semaphore, #tpu.memory_space<semaphore_mem>>)
      %dma_wait3A_438 = arith.constant 0 : i32
      %dma_wait3A_439 = arith.constant 0 : i32
      %dma_wait3A_440 = tpu.memref_slice %arg10[%dma_wait3A_438, %dma_wait3A_439] : memref<200x64xf32, #tpu.memory_space<vmem>> -> memref<100x64xf32, #tpu.memory_space<vmem>>
      %dma_wait3A_441 = arith.constant 0 : i32
      %dma_wait3A_442 = arith.constant 0 : i32
      %dma_wait3A_443 = tpu.memref_slice %arg5[%dma_wait3A_441, %dma_wait3A_442] : memref<819200x64xf32, #tpu.memory_space<hbm>> -> memref<100x64xf32, #tpu.memory_space<hbm>>
      %dma_wait3A_444 = arith.constant 0 : i32
      %dma_wait3A_445 = arith.constant 0 : i32
      %dma_wait3A_446 = tpu.memref_slice %arg5[%dma_wait3A_444, %dma_wait3A_445] : memref<819200x64xf32, #tpu.memory_space<hbm>> -> memref<100x64xf32, #tpu.memory_space<hbm>>
      %dma_wait3A_447 = arith.constant 0 : i32
      %dma_wait3A_448 = arith.constant 0 : i32
      %dma_wait3A_449 = tpu.memref_slice %arg10[%dma_wait3A_447, %dma_wait3A_448] : memref<200x64xf32, #tpu.memory_space<vmem>> -> memref<100x64xf32, #tpu.memory_space<vmem>>
      tpu.wait_dma2 semaphore(%arg18 : memref<!tpu.dma_semaphore, #tpu.memory_space<semaphore_mem>>) src(%dma_wait3A_449 : memref<100x64xf32, #tpu.memory_space<vmem>>) dst(%dma_wait3A_446 : memref<100x64xf32, #tpu.memory_space<hbm>>)
      %dma_wait3A_450 = arith.constant 0 : i32
      %dma_wait3A_451 = arith.constant 0 : i32
      %dma_wait3A_452 = tpu.memref_slice %arg10[%dma_wait3A_450, %dma_wait3A_451] : memref<200x64xf32, #tpu.memory_space<vmem>> -> memref<100x64xf32, #tpu.memory_space<vmem>>
      %dma_wait3A_453 = arith.constant 0 : i32
      %dma_wait3A_454 = arith.constant 0 : i32
      %dma_wait3A_455 = tpu.memref_slice %arg5[%dma_wait3A_453, %dma_wait3A_454] : memref<819200x64xf32, #tpu.memory_space<hbm>> -> memref<100x64xf32, #tpu.memory_space<hbm>>
      %dma_wait3A_456 = arith.constant 0 : i32
      %dma_wait3A_457 = arith.constant 0 : i32
      %dma_wait3A_458 = tpu.memref_slice %arg5[%dma_wait3A_456, %dma_wait3A_457] : memref<819200x64xf32, #tpu.memory_space<hbm>> -> memref<100x64xf32, #tpu.memory_space<hbm>>
      %dma_wait3A_459 = arith.constant 0 : i32
      %dma_wait3A_460 = arith.constant 0 : i32
      %dma_wait3A_461 = tpu.memref_slice %arg10[%dma_wait3A_459, %dma_wait3A_460] : memref<200x64xf32, #tpu.memory_space<vmem>> -> memref<100x64xf32, #tpu.memory_space<vmem>>
      tpu.wait_dma2 semaphore(%arg18 : memref<!tpu.dma_semaphore, #tpu.memory_space<semaphore_mem>>) src(%dma_wait3A_461 : memref<100x64xf32, #tpu.memory_space<vmem>>) dst(%dma_wait3A_458 : memref<100x64xf32, #tpu.memory_space<hbm>>)
      %add3A_462 = arith.constant 4 : i32
      %add3A_463 = arith.addi %add3A_308, %add3A_462 : i32
      %add3A_464 = arith.constant 1 : i32
      %add3A_465 = arith.addi %add3A_463, %add3A_464 : i32
      %lt3A_466 = arith.constant 128 : i32
      %lt3A_467 = arith.cmpi slt, %add3A_465, %lt3A_466 : i32
      %convert_element_type3A_468 = arith.extui %lt3A_467 : i1 to i32
      %cond3A_469 = arith.constant 0 : i32
      %cond3A_470 = arith.cmpi ne, %convert_element_type3A_468, %cond3A_469 : i32
      scf.if %cond3A_470 {
        %add3A_570 = arith.constant 4 : i32
        %add3A_571 = arith.addi %add3A_308, %add3A_570 : i32
        %add3A_572 = arith.constant 1 : i32
        %add3A_573 = arith.addi %add3A_571, %add3A_572 : i32
        %mul3A_574 = arith.constant 2 : i32
        %mul3A_575 = arith.muli %mul3A_574, %add3A_573 : i32
        %dma_start3A_576 = arith.constant 0 : i32
        %dma_start3A_577 = arith.constant 0 : i32
        %dma_start3A_578 = tpu.memref_slice %arg10[%dma_start3A_576, %dma_start3A_577] : memref<200x64xf32, #tpu.memory_space<vmem>> -> memref<100x64xf32, #tpu.memory_space<vmem>>
        %dma_start3A_579 = arith.constant 0 : i32
        %dma_start3A_580 = tpu.memref_slice %arg7[%mul3A_575, %dma_start3A_579] : memref<256x100xi32, #tpu.memory_space<vmem>> -> memref<1x100xi32, #tpu.memory_space<vmem>>
        %dma_start3A_581 = tpu.memref_squeeze %dma_start3A_580 : memref<1x100xi32, #tpu.memory_space<vmem>> -> memref<100xi32, #tpu.memory_space<vmem>>
        %dma_start3A_582 = arith.constant 0 : i32
        %dma_start3A_583 = arith.constant 0 : i32
        %dma_start3A_584 = tpu.memref_slice %arg3[%dma_start3A_582, %dma_start3A_583] : memref<100000x64xf32, #tpu.memory_space<hbm>> -> memref<100000x64xf32, #tpu.memory_space<hbm>>
        tpu.enqueue_indirect_dma source(%dma_start3A_584 : memref<100000x64xf32, #tpu.memory_space<hbm>>) target(%dma_start3A_578 : memref<100x64xf32, #tpu.memory_space<vmem>>) offsets(%dma_start3A_581 : memref<100xi32, #tpu.memory_space<vmem>>) semaphore(%arg14 : memref<!tpu.dma_semaphore, #tpu.memory_space<semaphore_mem>>)
        %mul3A_585 = arith.constant 2 : i32
        %mul3A_586 = arith.muli %mul3A_585, %add3A_573 : i32
        %add3A_587 = arith.constant 1 : i32
        %add3A_588 = arith.addi %mul3A_586, %add3A_587 : i32
        %dma_start3A_589 = arith.constant 100 : i32
        %dma_start3A_590 = arith.constant 0 : i32
        %dma_start3A_591 = tpu.memref_slice %arg10[%dma_start3A_589, %dma_start3A_590] : memref<200x64xf32, #tpu.memory_space<vmem>> -> memref<100x64xf32, #tpu.memory_space<vmem>>
        %dma_start3A_592 = arith.constant 0 : i32
        %dma_start3A_593 = tpu.memref_slice %arg7[%add3A_588, %dma_start3A_592] : memref<256x100xi32, #tpu.memory_space<vmem>> -> memref<1x100xi32, #tpu.memory_space<vmem>>
        %dma_start3A_594 = tpu.memref_squeeze %dma_start3A_593 : memref<1x100xi32, #tpu.memory_space<vmem>> -> memref<100xi32, #tpu.memory_space<vmem>>
        %dma_start3A_595 = arith.constant 0 : i32
        %dma_start3A_596 = arith.constant 0 : i32
        %dma_start3A_597 = tpu.memref_slice %arg3[%dma_start3A_595, %dma_start3A_596] : memref<100000x64xf32, #tpu.memory_space<hbm>> -> memref<100000x64xf32, #tpu.memory_space<hbm>>
        tpu.enqueue_indirect_dma source(%dma_start3A_597 : memref<100000x64xf32, #tpu.memory_space<hbm>>) target(%dma_start3A_591 : memref<100x64xf32, #tpu.memory_space<vmem>>) offsets(%dma_start3A_594 : memref<100xi32, #tpu.memory_space<vmem>>) semaphore(%arg14 : memref<!tpu.dma_semaphore, #tpu.memory_space<semaphore_mem>>)
      } else {
      }
      %dma_wait3A_471 = arith.constant 0 : i32
      %dma_wait3A_472 = arith.constant 0 : i32
      %dma_wait3A_473 = tpu.memref_slice %arg3[%dma_wait3A_471, %dma_wait3A_472] : memref<100000x64xf32, #tpu.memory_space<hbm>> -> memref<200x64xf32, #tpu.memory_space<hbm>>
      %dma_wait3A_474 = arith.constant 0 : i32
      %dma_wait3A_475 = arith.constant 0 : i32
      %dma_wait3A_476 = tpu.memref_slice %arg3[%dma_wait3A_474, %dma_wait3A_475] : memref<100000x64xf32, #tpu.memory_space<hbm>> -> memref<200x64xf32, #tpu.memory_space<hbm>>
      tpu.wait_dma2 semaphore(%arg16 : memref<!tpu.dma_semaphore, #tpu.memory_space<semaphore_mem>>) src(%dma_wait3A_476 : memref<200x64xf32, #tpu.memory_space<hbm>>) dst(%arg12 : memref<200x64xf32, #tpu.memory_space<vmem>>)
      %scan3A_477 = arith.constant 0 : i32
      %scan3A_478 = arith.constant 200 : i32
      %scan3A_479 = arith.addi %scan3A_477, %scan3A_478 : i32
      %scan3A_480 = arith.constant 1 : i32
      scf.for %scan3A_570 = %scan3A_477 to %scan3A_479 step %scan3A_480  : i32 {
        %mul3A_571 = arith.constant 1 : i32
        %mul3A_572 = arith.muli %scan3A_570, %mul3A_571 : i32
        %add3A_573 = arith.constant 0 : i32
        %add3A_574 = arith.addi %add3A_573, %mul3A_572 : i32
        %get3A = arith.index_cast %add3A_574 : i32 to index
        %get3A_575 = arith.constant 0 : index
        %get3A_576 = tpu.vector_load %arg8[%get3A, %get3A_575] {strides = array<i32>} : memref<200x64xf32, #tpu.memory_space<vmem>>, vector<1x16xf32>,
        %get3A_577 = vector.shape_cast %get3A_576 : vector<1x16xf32> to vector<16xf32>
        %swap3A_578 = arith.index_cast %add3A_574 : i32 to index
        %swap3A_579 = arith.constant 0 : index
        %swap3A_580 = tpu.vector_load %arg12[%swap3A_578, %swap3A_579] {strides = array<i32>} : memref<200x64xf32, #tpu.memory_space<vmem>>, vector<1x16xf32>,
        %swap3A_581 = vector.shape_cast %swap3A_580 : vector<1x16xf32> to vector<16xf32>
        %swap3A_582 = vector.shape_cast %get3A_577 : vector<16xf32> to vector<1x16xf32>
        tpu.vector_store %arg12[%swap3A_578, %swap3A_579], %swap3A_582 {add = true, strides = array<i32>} : memref<200x64xf32, #tpu.memory_space<vmem>>, vector<1x16xf32>,
        %get3A_583 = arith.index_cast %add3A_574 : i32 to index
        %get3A_584 = arith.constant 16 : index
        %get3A_585 = tpu.vector_load %arg8[%get3A_583, %get3A_584] {strides = array<i32>} : memref<200x64xf32, #tpu.memory_space<vmem>>, vector<1x16xf32>,
        %get3A_586 = vector.shape_cast %get3A_585 : vector<1x16xf32> to vector<16xf32>
        %swap3A_587 = arith.index_cast %add3A_574 : i32 to index
        %swap3A_588 = arith.constant 16 : index
        %swap3A_589 = tpu.vector_load %arg12[%swap3A_587, %swap3A_588] {strides = array<i32>} : memref<200x64xf32, #tpu.memory_space<vmem>>, vector<1x16xf32>,
        %swap3A_590 = vector.shape_cast %swap3A_589 : vector<1x16xf32> to vector<16xf32>
        %swap3A_591 = vector.shape_cast %get3A_586 : vector<16xf32> to vector<1x16xf32>
        tpu.vector_store %arg12[%swap3A_587, %swap3A_588], %swap3A_591 {add = true, strides = array<i32>} : memref<200x64xf32, #tpu.memory_space<vmem>>, vector<1x16xf32>,
        %get3A_592 = arith.index_cast %add3A_574 : i32 to index
        %get3A_593 = arith.constant 32 : index
        %get3A_594 = tpu.vector_load %arg8[%get3A_592, %get3A_593] {strides = array<i32>} : memref<200x64xf32, #tpu.memory_space<vmem>>, vector<1x16xf32>,
        %get3A_595 = vector.shape_cast %get3A_594 : vector<1x16xf32> to vector<16xf32>
        %swap3A_596 = arith.index_cast %add3A_574 : i32 to index
        %swap3A_597 = arith.constant 32 : index
        %swap3A_598 = tpu.vector_load %arg12[%swap3A_596, %swap3A_597] {strides = array<i32>} : memref<200x64xf32, #tpu.memory_space<vmem>>, vector<1x16xf32>,
        %swap3A_599 = vector.shape_cast %swap3A_598 : vector<1x16xf32> to vector<16xf32>
        %swap3A_600 = vector.shape_cast %get3A_595 : vector<16xf32> to vector<1x16xf32>
        tpu.vector_store %arg12[%swap3A_596, %swap3A_597], %swap3A_600 {add = true, strides = array<i32>} : memref<200x64xf32, #tpu.memory_space<vmem>>, vector<1x16xf32>,
        %get3A_601 = arith.index_cast %add3A_574 : i32 to index
        %get3A_602 = arith.constant 48 : index
        %get3A_603 = tpu.vector_load %arg8[%get3A_601, %get3A_602] {strides = array<i32>} : memref<200x64xf32, #tpu.memory_space<vmem>>, vector<1x16xf32>,
        %get3A_604 = vector.shape_cast %get3A_603 : vector<1x16xf32> to vector<16xf32>
        %swap3A_605 = arith.index_cast %add3A_574 : i32 to index
        %swap3A_606 = arith.constant 48 : index
        %swap3A_607 = tpu.vector_load %arg12[%swap3A_605, %swap3A_606] {strides = array<i32>} : memref<200x64xf32, #tpu.memory_space<vmem>>, vector<1x16xf32>,
        %swap3A_608 = vector.shape_cast %swap3A_607 : vector<1x16xf32> to vector<16xf32>
        %swap3A_609 = vector.shape_cast %get3A_604 : vector<16xf32> to vector<1x16xf32>
        tpu.vector_store %arg12[%swap3A_605, %swap3A_606], %swap3A_609 {add = true, strides = array<i32>} : memref<200x64xf32, #tpu.memory_space<vmem>>, vector<1x16xf32>,
      }
      %scan3A_481 = arith.constant 200 : i32
      %add3A_482 = arith.constant 3 : i32
      %add3A_483 = arith.addi %add3A_308, %add3A_482 : i32
      %dma_start3A_484 = arith.constant 0 : i32
      %dma_start3A_485 = arith.constant 0 : i32
      %dma_start3A_486 = arith.constant 0 : i32
      %dma_start3A_487 = tpu.memref_slice %arg12[%dma_start3A_485, %dma_start3A_486] : memref<200x64xf32, #tpu.memory_space<vmem>> -> memref<100x64xf32, #tpu.memory_space<vmem>>
      %dma_start3A_488 = arith.constant 0 : i32
      %dma_start3A_489 = tpu.memref_slice %arg6[%dma_start3A_484, %dma_start3A_488] : memref<2x100xi32, #tpu.memory_space<vmem>> -> memref<1x100xi32, #tpu.memory_space<vmem>>
      %dma_start3A_490 = tpu.memref_squeeze %dma_start3A_489 : memref<1x100xi32, #tpu.memory_space<vmem>> -> memref<100xi32, #tpu.memory_space<vmem>>
      %dma_start3A_491 = arith.constant 0 : i32
      %dma_start3A_492 = arith.constant 0 : i32
      %dma_start3A_493 = tpu.memref_slice %arg5[%dma_start3A_491, %dma_start3A_492] : memref<819200x64xf32, #tpu.memory_space<hbm>> -> memref<819200x64xf32, #tpu.memory_space<hbm>>
      tpu.enqueue_indirect_dma source(%dma_start3A_487 : memref<100x64xf32, #tpu.memory_space<vmem>>) target(%dma_start3A_493 : memref<819200x64xf32, #tpu.memory_space<hbm>>) offsets(%dma_start3A_490 : memref<100xi32, #tpu.memory_space<vmem>>) semaphore(%arg20 : memref<!tpu.dma_semaphore, #tpu.memory_space<semaphore_mem>>)
      %dma_start3A_494 = arith.constant 1 : i32
      %dma_start3A_495 = arith.constant 100 : i32
      %dma_start3A_496 = arith.constant 0 : i32
      %dma_start3A_497 = tpu.memref_slice %arg12[%dma_start3A_495, %dma_start3A_496] : memref<200x64xf32, #tpu.memory_space<vmem>> -> memref<100x64xf32, #tpu.memory_space<vmem>>
      %dma_start3A_498 = arith.constant 0 : i32
      %dma_start3A_499 = tpu.memref_slice %arg6[%dma_start3A_494, %dma_start3A_498] : memref<2x100xi32, #tpu.memory_space<vmem>> -> memref<1x100xi32, #tpu.memory_space<vmem>>
      %dma_start3A_500 = tpu.memref_squeeze %dma_start3A_499 : memref<1x100xi32, #tpu.memory_space<vmem>> -> memref<100xi32, #tpu.memory_space<vmem>>
      %dma_start3A_501 = arith.constant 0 : i32
      %dma_start3A_502 = arith.constant 0 : i32
      %dma_start3A_503 = tpu.memref_slice %arg5[%dma_start3A_501, %dma_start3A_502] : memref<819200x64xf32, #tpu.memory_space<hbm>> -> memref<819200x64xf32, #tpu.memory_space<hbm>>
      tpu.enqueue_indirect_dma source(%dma_start3A_497 : memref<100x64xf32, #tpu.memory_space<vmem>>) target(%dma_start3A_503 : memref<819200x64xf32, #tpu.memory_space<hbm>>) offsets(%dma_start3A_500 : memref<100xi32, #tpu.memory_space<vmem>>) semaphore(%arg20 : memref<!tpu.dma_semaphore, #tpu.memory_space<semaphore_mem>>)
      %dma_wait3A_504 = arith.constant 0 : i32
      %dma_wait3A_505 = arith.constant 0 : i32
      %dma_wait3A_506 = tpu.memref_slice %arg11[%dma_wait3A_504, %dma_wait3A_505] : memref<200x64xf32, #tpu.memory_space<vmem>> -> memref<100x64xf32, #tpu.memory_space<vmem>>
      %dma_wait3A_507 = arith.constant 0 : i32
      %dma_wait3A_508 = arith.constant 0 : i32
      %dma_wait3A_509 = tpu.memref_slice %arg5[%dma_wait3A_507, %dma_wait3A_508] : memref<819200x64xf32, #tpu.memory_space<hbm>> -> memref<100x64xf32, #tpu.memory_space<hbm>>
      %dma_wait3A_510 = arith.constant 0 : i32
      %dma_wait3A_511 = arith.constant 0 : i32
      %dma_wait3A_512 = tpu.memref_slice %arg5[%dma_wait3A_510, %dma_wait3A_511] : memref<819200x64xf32, #tpu.memory_space<hbm>> -> memref<100x64xf32, #tpu.memory_space<hbm>>
      %dma_wait3A_513 = arith.constant 0 : i32
      %dma_wait3A_514 = arith.constant 0 : i32
      %dma_wait3A_515 = tpu.memref_slice %arg11[%dma_wait3A_513, %dma_wait3A_514] : memref<200x64xf32, #tpu.memory_space<vmem>> -> memref<100x64xf32, #tpu.memory_space<vmem>>
      tpu.wait_dma2 semaphore(%arg19 : memref<!tpu.dma_semaphore, #tpu.memory_space<semaphore_mem>>) src(%dma_wait3A_515 : memref<100x64xf32, #tpu.memory_space<vmem>>) dst(%dma_wait3A_512 : memref<100x64xf32, #tpu.memory_space<hbm>>)
      %dma_wait3A_516 = arith.constant 0 : i32
      %dma_wait3A_517 = arith.constant 0 : i32
      %dma_wait3A_518 = tpu.memref_slice %arg11[%dma_wait3A_516, %dma_wait3A_517] : memref<200x64xf32, #tpu.memory_space<vmem>> -> memref<100x64xf32, #tpu.memory_space<vmem>>
      %dma_wait3A_519 = arith.constant 0 : i32
      %dma_wait3A_520 = arith.constant 0 : i32
      %dma_wait3A_521 = tpu.memref_slice %arg5[%dma_wait3A_519, %dma_wait3A_520] : memref<819200x64xf32, #tpu.memory_space<hbm>> -> memref<100x64xf32, #tpu.memory_space<hbm>>
      %dma_wait3A_522 = arith.constant 0 : i32
      %dma_wait3A_523 = arith.constant 0 : i32
      %dma_wait3A_524 = tpu.memref_slice %arg5[%dma_wait3A_522, %dma_wait3A_523] : memref<819200x64xf32, #tpu.memory_space<hbm>> -> memref<100x64xf32, #tpu.memory_space<hbm>>
      %dma_wait3A_525 = arith.constant 0 : i32
      %dma_wait3A_526 = arith.constant 0 : i32
      %dma_wait3A_527 = tpu.memref_slice %arg11[%dma_wait3A_525, %dma_wait3A_526] : memref<200x64xf32, #tpu.memory_space<vmem>> -> memref<100x64xf32, #tpu.memory_space<vmem>>
      tpu.wait_dma2 semaphore(%arg19 : memref<!tpu.dma_semaphore, #tpu.memory_space<semaphore_mem>>) src(%dma_wait3A_527 : memref<100x64xf32, #tpu.memory_space<vmem>>) dst(%dma_wait3A_524 : memref<100x64xf32, #tpu.memory_space<hbm>>)
      %add3A_528 = arith.constant 4 : i32
      %add3A_529 = arith.addi %add3A_308, %add3A_528 : i32
      %add3A_530 = arith.constant 2 : i32
      %add3A_531 = arith.addi %add3A_529, %add3A_530 : i32
      %lt3A_532 = arith.constant 128 : i32
      %lt3A_533 = arith.cmpi slt, %add3A_531, %lt3A_532 : i32
      %convert_element_type3A_534 = arith.extui %lt3A_533 : i1 to i32
      %cond3A_535 = arith.constant 0 : i32
      %cond3A_536 = arith.cmpi ne, %convert_element_type3A_534, %cond3A_535 : i32
      scf.if %cond3A_536 {
        %add3A_570 = arith.constant 4 : i32
        %add3A_571 = arith.addi %add3A_308, %add3A_570 : i32
        %add3A_572 = arith.constant 2 : i32
        %add3A_573 = arith.addi %add3A_571, %add3A_572 : i32
        %mul3A_574 = arith.constant 2 : i32
        %mul3A_575 = arith.muli %mul3A_574, %add3A_573 : i32
        %dma_start3A_576 = arith.constant 0 : i32
        %dma_start3A_577 = arith.constant 0 : i32
        %dma_start3A_578 = tpu.memref_slice %arg11[%dma_start3A_576, %dma_start3A_577] : memref<200x64xf32, #tpu.memory_space<vmem>> -> memref<100x64xf32, #tpu.memory_space<vmem>>
        %dma_start3A_579 = arith.constant 0 : i32
        %dma_start3A_580 = tpu.memref_slice %arg7[%mul3A_575, %dma_start3A_579] : memref<256x100xi32, #tpu.memory_space<vmem>> -> memref<1x100xi32, #tpu.memory_space<vmem>>
        %dma_start3A_581 = tpu.memref_squeeze %dma_start3A_580 : memref<1x100xi32, #tpu.memory_space<vmem>> -> memref<100xi32, #tpu.memory_space<vmem>>
        %dma_start3A_582 = arith.constant 0 : i32
        %dma_start3A_583 = arith.constant 0 : i32
        %dma_start3A_584 = tpu.memref_slice %arg3[%dma_start3A_582, %dma_start3A_583] : memref<100000x64xf32, #tpu.memory_space<hbm>> -> memref<100000x64xf32, #tpu.memory_space<hbm>>
        tpu.enqueue_indirect_dma source(%dma_start3A_584 : memref<100000x64xf32, #tpu.memory_space<hbm>>) target(%dma_start3A_578 : memref<100x64xf32, #tpu.memory_space<vmem>>) offsets(%dma_start3A_581 : memref<100xi32, #tpu.memory_space<vmem>>) semaphore(%arg15 : memref<!tpu.dma_semaphore, #tpu.memory_space<semaphore_mem>>)
        %mul3A_585 = arith.constant 2 : i32
        %mul3A_586 = arith.muli %mul3A_585, %add3A_573 : i32
        %add3A_587 = arith.constant 1 : i32
        %add3A_588 = arith.addi %mul3A_586, %add3A_587 : i32
        %dma_start3A_589 = arith.constant 100 : i32
        %dma_start3A_590 = arith.constant 0 : i32
        %dma_start3A_591 = tpu.memref_slice %arg11[%dma_start3A_589, %dma_start3A_590] : memref<200x64xf32, #tpu.memory_space<vmem>> -> memref<100x64xf32, #tpu.memory_space<vmem>>
        %dma_start3A_592 = arith.constant 0 : i32
        %dma_start3A_593 = tpu.memref_slice %arg7[%add3A_588, %dma_start3A_592] : memref<256x100xi32, #tpu.memory_space<vmem>> -> memref<1x100xi32, #tpu.memory_space<vmem>>
        %dma_start3A_594 = tpu.memref_squeeze %dma_start3A_593 : memref<1x100xi32, #tpu.memory_space<vmem>> -> memref<100xi32, #tpu.memory_space<vmem>>
        %dma_start3A_595 = arith.constant 0 : i32
        %dma_start3A_596 = arith.constant 0 : i32
        %dma_start3A_597 = tpu.memref_slice %arg3[%dma_start3A_595, %dma_start3A_596] : memref<100000x64xf32, #tpu.memory_space<hbm>> -> memref<100000x64xf32, #tpu.memory_space<hbm>>
        tpu.enqueue_indirect_dma source(%dma_start3A_597 : memref<100000x64xf32, #tpu.memory_space<hbm>>) target(%dma_start3A_591 : memref<100x64xf32, #tpu.memory_space<vmem>>) offsets(%dma_start3A_594 : memref<100xi32, #tpu.memory_space<vmem>>) semaphore(%arg15 : memref<!tpu.dma_semaphore, #tpu.memory_space<semaphore_mem>>)
      } else {
      }
      %dma_wait3A_537 = arith.constant 0 : i32
      %dma_wait3A_538 = arith.constant 0 : i32
      %dma_wait3A_539 = tpu.memref_slice %arg12[%dma_wait3A_537, %dma_wait3A_538] : memref<200x64xf32, #tpu.memory_space<vmem>> -> memref<100x64xf32, #tpu.memory_space<vmem>>
      %dma_wait3A_540 = arith.constant 0 : i32
      %dma_wait3A_541 = arith.constant 0 : i32
      %dma_wait3A_542 = tpu.memref_slice %arg5[%dma_wait3A_540, %dma_wait3A_541] : memref<819200x64xf32, #tpu.memory_space<hbm>> -> memref<100x64xf32, #tpu.memory_space<hbm>>
      %dma_wait3A_543 = arith.constant 0 : i32
      %dma_wait3A_544 = arith.constant 0 : i32
      %dma_wait3A_545 = tpu.memref_slice %arg5[%dma_wait3A_543, %dma_wait3A_544] : memref<819200x64xf32, #tpu.memory_space<hbm>> -> memref<100x64xf32, #tpu.memory_space<hbm>>
      %dma_wait3A_546 = arith.constant 0 : i32
      %dma_wait3A_547 = arith.constant 0 : i32
      %dma_wait3A_548 = tpu.memref_slice %arg12[%dma_wait3A_546, %dma_wait3A_547] : memref<200x64xf32, #tpu.memory_space<vmem>> -> memref<100x64xf32, #tpu.memory_space<vmem>>
      tpu.wait_dma2 semaphore(%arg20 : memref<!tpu.dma_semaphore, #tpu.memory_space<semaphore_mem>>) src(%dma_wait3A_548 : memref<100x64xf32, #tpu.memory_space<vmem>>) dst(%dma_wait3A_545 : memref<100x64xf32, #tpu.memory_space<hbm>>)
      %dma_wait3A_549 = arith.constant 0 : i32
      %dma_wait3A_550 = arith.constant 0 : i32
      %dma_wait3A_551 = tpu.memref_slice %arg12[%dma_wait3A_549, %dma_wait3A_550] : memref<200x64xf32, #tpu.memory_space<vmem>> -> memref<100x64xf32, #tpu.memory_space<vmem>>
      %dma_wait3A_552 = arith.constant 0 : i32
      %dma_wait3A_553 = arith.constant 0 : i32
      %dma_wait3A_554 = tpu.memref_slice %arg5[%dma_wait3A_552, %dma_wait3A_553] : memref<819200x64xf32, #tpu.memory_space<hbm>> -> memref<100x64xf32, #tpu.memory_space<hbm>>
      %dma_wait3A_555 = arith.constant 0 : i32
      %dma_wait3A_556 = arith.constant 0 : i32
      %dma_wait3A_557 = tpu.memref_slice %arg5[%dma_wait3A_555, %dma_wait3A_556] : memref<819200x64xf32, #tpu.memory_space<hbm>> -> memref<100x64xf32, #tpu.memory_space<hbm>>
      %dma_wait3A_558 = arith.constant 0 : i32
      %dma_wait3A_559 = arith.constant 0 : i32
      %dma_wait3A_560 = tpu.memref_slice %arg12[%dma_wait3A_558, %dma_wait3A_559] : memref<200x64xf32, #tpu.memory_space<vmem>> -> memref<100x64xf32, #tpu.memory_space<vmem>>
      tpu.wait_dma2 semaphore(%arg20 : memref<!tpu.dma_semaphore, #tpu.memory_space<semaphore_mem>>) src(%dma_wait3A_560 : memref<100x64xf32, #tpu.memory_space<vmem>>) dst(%dma_wait3A_557 : memref<100x64xf32, #tpu.memory_space<hbm>>)
      %add3A_561 = arith.constant 4 : i32
      %add3A_562 = arith.addi %add3A_308, %add3A_561 : i32
      %add3A_563 = arith.constant 3 : i32
      %add3A_564 = arith.addi %add3A_562, %add3A_563 : i32
      %lt3A_565 = arith.constant 128 : i32
      %lt3A_566 = arith.cmpi slt, %add3A_564, %lt3A_565 : i32
      %convert_element_type3A_567 = arith.extui %lt3A_566 : i1 to i32
      %cond3A_568 = arith.constant 0 : i32
      %cond3A_569 = arith.cmpi ne, %convert_element_type3A_567, %cond3A_568 : i32
      scf.if %cond3A_569 {
        %add3A_570 = arith.constant 4 : i32
        %add3A_571 = arith.addi %add3A_308, %add3A_570 : i32
        %add3A_572 = arith.constant 3 : i32
        %add3A_573 = arith.addi %add3A_571, %add3A_572 : i32
        %mul3A_574 = arith.constant 2 : i32
        %mul3A_575 = arith.muli %mul3A_574, %add3A_573 : i32
        %dma_start3A_576 = arith.constant 0 : i32
        %dma_start3A_577 = arith.constant 0 : i32
        %dma_start3A_578 = tpu.memref_slice %arg12[%dma_start3A_576, %dma_start3A_577] : memref<200x64xf32, #tpu.memory_space<vmem>> -> memref<100x64xf32, #tpu.memory_space<vmem>>
        %dma_start3A_579 = arith.constant 0 : i32
        %dma_start3A_580 = tpu.memref_slice %arg7[%mul3A_575, %dma_start3A_579] : memref<256x100xi32, #tpu.memory_space<vmem>> -> memref<1x100xi32, #tpu.memory_space<vmem>>
        %dma_start3A_581 = tpu.memref_squeeze %dma_start3A_580 : memref<1x100xi32, #tpu.memory_space<vmem>> -> memref<100xi32, #tpu.memory_space<vmem>>
        %dma_start3A_582 = arith.constant 0 : i32
        %dma_start3A_583 = arith.constant 0 : i32
        %dma_start3A_584 = tpu.memref_slice %arg3[%dma_start3A_582, %dma_start3A_583] : memref<100000x64xf32, #tpu.memory_space<hbm>> -> memref<100000x64xf32, #tpu.memory_space<hbm>>
        tpu.enqueue_indirect_dma source(%dma_start3A_584 : memref<100000x64xf32, #tpu.memory_space<hbm>>) target(%dma_start3A_578 : memref<100x64xf32, #tpu.memory_space<vmem>>) offsets(%dma_start3A_581 : memref<100xi32, #tpu.memory_space<vmem>>) semaphore(%arg16 : memref<!tpu.dma_semaphore, #tpu.memory_space<semaphore_mem>>)
        %mul3A_585 = arith.constant 2 : i32
        %mul3A_586 = arith.muli %mul3A_585, %add3A_573 : i32
        %add3A_587 = arith.constant 1 : i32
        %add3A_588 = arith.addi %mul3A_586, %add3A_587 : i32
        %dma_start3A_589 = arith.constant 100 : i32
        %dma_start3A_590 = arith.constant 0 : i32
        %dma_start3A_591 = tpu.memref_slice %arg12[%dma_start3A_589, %dma_start3A_590] : memref<200x64xf32, #tpu.memory_space<vmem>> -> memref<100x64xf32, #tpu.memory_space<vmem>>
        %dma_start3A_592 = arith.constant 0 : i32
        %dma_start3A_593 = tpu.memref_slice %arg7[%add3A_588, %dma_start3A_592] : memref<256x100xi32, #tpu.memory_space<vmem>> -> memref<1x100xi32, #tpu.memory_space<vmem>>
        %dma_start3A_594 = tpu.memref_squeeze %dma_start3A_593 : memref<1x100xi32, #tpu.memory_space<vmem>> -> memref<100xi32, #tpu.memory_space<vmem>>
        %dma_start3A_595 = arith.constant 0 : i32
        %dma_start3A_596 = arith.constant 0 : i32
        %dma_start3A_597 = tpu.memref_slice %arg3[%dma_start3A_595, %dma_start3A_596] : memref<100000x64xf32, #tpu.memory_space<hbm>> -> memref<100000x64xf32, #tpu.memory_space<hbm>>
        tpu.enqueue_indirect_dma source(%dma_start3A_597 : memref<100000x64xf32, #tpu.memory_space<hbm>>) target(%dma_start3A_591 : memref<100x64xf32, #tpu.memory_space<vmem>>) offsets(%dma_start3A_594 : memref<100xi32, #tpu.memory_space<vmem>>) semaphore(%arg16 : memref<!tpu.dma_semaphore, #tpu.memory_space<semaphore_mem>>)
      } else {
      }
    }
    %scan3A_303 = arith.constant 32 : i32
    return
  }
}

</mosaic_0001>

<sc_bundles>
// kernel: kernel.3.cloned.1.call-start
scs
__scs_entry_jumppad:
0x0: {  	(pc) =	sbr.rel $0x88, $3  }
0x1: {  	(tag) =	ssettag $0x0;
	lr =	simm.s32 $0x1  }
0x2: {  	[smem:$0x3F9E] =	sst lr;
	_ =	strace $0xD0000000  }
0x3: {  	_ = 	snop  }
0x4: {  	_ = 	snop  }
0x5: {  	_ = 	snop  }
0x6: {  	_ = 	snop  }
0x7: {  	_ = 	snop  }
__scs_overlays_trampoline_lowered:
0x8: {  	[smem:$0x3FAD] =	sst s0  }
0x9: {  	[smem:$0x3FAE] =	sst s1  }
0xa: {  	[smem:$0x3FAF] =	sst s2  }
0xb: {  	[smem:$0x3FB0] =	sst s3  }
0xc: {  	[smem:$0x3FB1] =	sst s4  }
0xd: {  	[smem:$0x3FB2] =	sst s5  }
0xe: {  	[smem:$0x3FB3] =	sst s6  }
0xf: {  	[smem:$0x3FB4] =	sst s7  }
0x10: {  	[smem:$0x3FB5] =	sst s8  }
0x11: {  	[smem:$0x3FB6] =	sst s9;
	s0 =	simm.s32 @!p0 $0x0  }
0x12: {  	s1 =	sld [smem:$0x3F9C];
	s0 =	simm.s32 @p0 $0x1  }
0x13: {  	[smem:$0x3FB7] =	sst s0;
	s0 =	simm.s32 @!p1 $0x0  }
0x14: {  	s2 =	sld [smem:$0x3F9B];
	s0 =	simm.s32 @p1 $0x1  }
0x15: {  	[smem:$0x3FB8] =	sst s0;
	s0 =	simm.s32 @!p2 $0x0  }
0x16: {  	s3 =	sld [smem:$0x3FDB];
	s0 =	simm.s32 @p2 $0x1  }
0x17: {  	s4 =	simm.s32 $0x1BF5;
	[smem:$0x3FBA] =	sst s0  }
0x18: {  	s0 =	sld [smem:$0x3F9D];
	_ =	swait.ge [sflag:s4], $0x0  }
0x19: {  	s7 =	sld [smem:$0x3F9E]  }
0x1a: {  	s8 =	sadd.s32 $0xFFFFE003, lr  }
0x1b: {  	s9 =	sadd.s32 $0xFFFFFEF7, lr;
	s5 =	simm.s32 $0xFFFFFFFF;
	p2 =	slt.u32 s8, $0xFFFFF086  }
0x1c: {  	p1 =	slt.u32 s9, $0xF7A;
	s5 =	simm.s32 @!p2 $0x0  }
0x1d: {  	s5 =	simm.s32 @p1 $0x1;
	p0 =	seq.s32 s7, s2  }
0x1e: {  	s7 =	smul.u32 @!p0 $0xF7A, s2;
	p2 =	seq.s32 @!p0 s5, $0x0  }
0x1f: {  	s9 =	smul.u32 $0xF7A, s1;
	s8 =	simm.s32 @!p0 $0x1BF5;
	p2 =	por !p2, p0  }
0x20: {  	[sflag:s8] =	ssyncset.s32 @!p0 $0xFFFFF086;
	s6 =	sadd.s32 @!p0 s3, s7;
	s7 =	simm.s32 @!p0 $0x108  }
0x21: {  	s3 =	sadd.s32 s3, s9;
	s6 =	sadd.s32 @!p0 $0x88, s6;
	s7 =	simm.s32 @p2 $0x1082  }
0x22: {  	[simem:s7], [sflag:s8] =	dma.local @!p0 [hbm:s6], $0xF7A  }
0x23: {  	s9 =	sor.u32 $0xD0000000, s2;
	s6 =	simm.s32 $0x108;
	_ =	swait.ge @!p0 [sflag:s8], $0x0  }
0x24: {  	s3 =	sadd.s32 $0x88, s3;
	s6 =	simm.s32 @!p1 $0x1082;
	[sflag:s4] =	ssyncset.s32 $0xFFFFF086  }
0x25: {  	[simem:s6], [sflag:s4] =	dma.local [hbm:s3], $0xF7A  }
0x26: {  	[smem:$0x3F9E] =	sst s1;
	(tag) =	ssettag s2;
	_ =	strace s9  }
0x27: {  	s1 =	sld [smem:$0x3FAE]  }
0x28: {  	s2 =	sld [smem:$0x3FAF]  }
0x29: {  	s4 =	sld [smem:$0x3FB1]  }
0x2a: {  	p0 =	seq.s32 s5, $0x0;
	s5 =	sld [smem:$0x3FB2]  }
0x2b: {  	s6 =	sld [smem:$0x3FB3]  }
0x2c: {  	s7 =	sld [smem:$0x3FB4]  }
0x2d: {  	s3 =	simm.s32 $0x108;
	s8 =	sld [smem:$0x3FB5]  }
0x2e: {  	s3 =	simm.s32 @!p0 $0x1082;
	s9 =	sld [smem:$0x3FB6]  }
0x2f: {  	lr =	sadd.s32 s0, s3;
	s0 =	sld [smem:$0x3FAD]  }
0x30: {  	s3 =	sld [smem:$0x3FB0]  }
0x31: {  	[smem:$0x3FB9] =	sst s10  }
0x32: {  	s10 =	sld [smem:$0x3FB7];
	_ =	sdelay $0x3  }
0x33: {  	p0 =	seq.s32 s10, $0x1;
	s10 =	sld [smem:$0x3FB9];
	_ =	sdelay $0x3  }
0x34: {  	[smem:$0x3FB9] =	sst s10  }
0x35: {  	s10 =	sld [smem:$0x3FB8];
	_ =	sdelay $0x3  }
0x36: {  	p1 =	seq.s32 s10, $0x1;
	s10 =	sld [smem:$0x3FB9];
	_ =	sdelay $0x3  }
0x37: {  	[smem:$0x3FB9] =	sst s10  }
0x38: {  	s10 =	sld [smem:$0x3FBA]  }
0x39: {  	_ = 	snop;
	(pc) =	sbr.ind lr, $3  }
0x3a: {  	_ = 	snop  }
0x3b: {  	_ = 	snop  }
0x3c: {  	p2 =	seq.s32 s10, $0x1;
	s10 =	sld [smem:$0x3FB9]  }
0x3d: {  	_ =	shalt  }
0x3e: {  	_ =	shalt  }
0x3f: {  	_ =	shalt  }
0x40: {  	_ =	shalt  }
0x41: {  	_ =	shalt  }
0x42: {  	_ =	shalt  }
0x43: {  	_ =	shalt  }
0x44: {  	_ =	shalt  }
0x45: {  	_ =	shalt  }
0x46: {  	_ =	shalt  }
0x47: {  	_ =	shalt  }
0x48: {  	_ =	shalt  }
0x49: {  	_ =	shalt  }
0x4a: {  	_ =	shalt  }
0x4b: {  	_ =	shalt  }
0x4c: {  	_ =	shalt  }
0x4d: {  	_ =	shalt  }
0x4e: {  	_ =	shalt  }
0x4f: {  	_ =	shalt  }
0x50: {  	_ =	shalt  }
0x51: {  	_ =	shalt  }
0x52: {  	_ =	shalt  }
0x53: {  	_ =	shalt  }
0x54: {  	_ =	shalt  }
0x55: {  	_ =	shalt  }
0x56: {  	_ =	shalt  }
0x57: {  	_ =	shalt  }
0x58: {  	_ =	shalt  }
0x59: {  	_ =	shalt  }
0x5a: {  	_ =	shalt  }
0x5b: {  	_ =	shalt  }
0x5c: {  	_ =	shalt  }
0x5d: {  	_ =	shalt  }
0x5e: {  	_ =	shalt  }
0x5f: {  	_ =	shalt  }
0x60: {  	_ =	shalt  }
0x61: {  	_ =	shalt  }
0x62: {  	_ =	shalt  }
0x63: {  	_ =	shalt  }
0x64: {  	_ =	shalt  }
0x65: {  	_ =	shalt  }
0x66: {  	_ =	shalt  }
0x67: {  	_ =	shalt  }
0x68: {  	_ =	shalt  }
0x69: {  	_ =	shalt  }
0x6a: {  	_ =	shalt  }
0x6b: {  	_ =	shalt  }
0x6c: {  	_ =	shalt  }
0x6d: {  	_ =	shalt  }
0x6e: {  	_ =	shalt  }
0x6f: {  	_ =	shalt  }
0x70: {  	_ =	shalt  }
0x71: {  	_ =	shalt  }
0x72: {  	_ =	shalt  }
0x73: {  	_ =	shalt  }
0x74: {  	_ =	shalt  }
0x75: {  	_ =	shalt  }
0x76: {  	_ =	shalt  }
0x77: {  	_ =	shalt  }
0x78: {  	_ =	shalt  }
0x79: {  	_ =	shalt  }
0x7a: {  	_ =	shalt  }
0x7b: {  	_ =	shalt  }
0x7c: {  	_ =	shalt  }
0x7d: {  	_ =	shalt  }
0x7e: {  	_ =	shalt  }
0x7f: {  	_ =	shalt  }
0x80: {  	_ =	shalt  }
0x81: {  	_ =	shalt  }
0x82: {  	_ =	shalt  }
0x83: {  	_ =	shalt  }
0x84: {  	_ =	shalt  }
0x85: {  	_ =	shalt  }
0x86: {  	_ =	shalt  }
0x87: {  	_ =	shalt  }
.Lfunc_end0:
.L_simem_size_0:
called_computation.1_lowered:
.L_overlay_start_0:
0x88: {  	s2 =	sld [smem:$0x3FD9]  }
0x89: {  	s3 =	sld [smem:$0x3FFE];
	_ =	sdelay $0x1  }
0x8a: {  	s1 =	srdreg.scid  }
0x8b: {  	s0 =	sand.u32 $0x1, s1  }
0x8c: {  	s17 =	sshll.u32 s0, $0xA;
	s2 =	sadd.s32 s3, s2  }
0x8d: {  	s2 =	sadd.s32 s2, s17  }
0x8e: {  	[smem:$0x3FC5] =	sst s2  }
0x8f: {  	_ = 	snop  }
0x90: {  	s2 =	sld [smem:$0x3FD0];
	(tm) =	ssettm $0x1  }
0x91: {  	s18 =	sld [smem:$0x3FFB];
	_ =	sdelay $0x3  }
0x92: {  	_ =	strace s18  }
0x93: {  	s3 =	sld [smem:$0x3FFC];
	_ =	sdelay $0x3  }
0x94: {  	_ =	strace s3  }
0x95: {  	s3 =	sld [smem:$0x3FFD];
	_ =	sdelay $0x3  }
0x96: {  	_ =	strace s3  }
0x97: {  	_ =	strace $0x8FFFFFFF  }
0x98: {  	s19 =	sld [smem:$0x3FDB];
	_ =	sdelay $0x1  }
0x99: {  	s4 =	simm.s32 $_scs_section_size  }
0x9a: {  	s5 =	simm.s32 $_size__tile_overlayer_lowered;
	s6 =	simm.s32 $_tile_overlayer_lowered  }
0x9b: {  	s22 =	simm.s32 $0x1BFF;
	s21 =	sshll.u32 s6, $0x1;
	s3 =	sadd.s32 s4, s19  }
0x9c: {  	s7 =	simm.s32 $0x0;
	s20 =	sshll.u32 s5, $0x1;
	s5 =	sadd.s32 s21, s3  }
0x9d: {  	[timem:s7], [sflag:s22] =	dma.local [hbm:s5], s20  }
0x9e: {  	_ =	swait.ge [sflag:s22], s20  }
0x9f: {  	s4 =	ssub.s32 $0x0, s20;
	[sflag:s22] =	ssyncset.done $0x0  }
0xa0: {  	[sflag:s22] =	ssyncadd.s32 s4;
	_ =	sdelay $0x1  }
0xa1: {  	s23 =	simm.s32 $0x1B8B  }
0xa2: {  	_ =	swait.ge [sflag:s23], $0x1  }
0xa3: {  	[sflag:s23] =	ssyncset.done $0x0  }
0xa4: {  	s25 =	simm.s32 $0x1B8E;
	s24 =	sld [smem:$0x3FFE];
	[sflag:s23] =	ssyncadd.s32 $0xFFFFFFFF  }
0xa5: {  	s26 =	simm.s32 $execute0_lowered;
	[smem:$0x3FD2] =	sst s25  }
0xa6: {  	s5 =	sshll.u32 s26, $0x1;
	_ =	strace $0x80000046;
	[dreg:$0x1] =	wrdreg $0xFFFFFFFF  }
0xa7: {  	s28 =	simm.s32 $_size_execute0_lowered;
	s3 =	sadd.s32 s3, s5;
	[dreg:$0x0] =	wrdreg $0x0  }
0xa8: {  	s5 =	sshll.u32 s28, $0x1;
	[dreg:$0x2] =	wrdreg s3  }
0xa9: {  	[dreg:$0x3] =	wrdreg s5  }
0xaa: {  	[dreg:$0x4] =	wrdreg $0xC0  }
0xab: {  	_ =	task [dreg:s7], $0x5FFFF  }
0xac: {  	[dreg:$0x1] =	wrdreg $0xFFFFFFFF  }
0xad: {  	[dreg:$0x0] =	wrdreg $0x60  }
0xae: {  	[dreg:$0x2] =	wrdreg s24  }
0xaf: {  	[dreg:$0x3] =	wrdreg s2  }
0xb0: {  	[dreg:$0x4] =	wrdreg $0x9  }
0xb1: {  	_ =	task.clear_ibuf [dreg:s7], $0x5FFFF;
	_ =	strace $0x90000046  }
0xb2: {  	s29 =	simm.s32 $0x9;
	_ =	strace $0x80000048  }
0xb3: {  	_ =	swait.ge [sflag:s29], $0x1  }
0xb4: {  	[sflag:s29] =	ssyncadd.s32 $0xFFFFFFFF  }
0xb5: {  	_ =	strace $0x90000048  }
0xb6: {  	_ =	sfence  }
0xb7: {  	s30 =	sld [smem:$0x0];
	_ =	sdelay $0x2  }
0xb8: {  	s31 =	sshll.u32 s1, $0xD;
	s1 =	sshrl.u32 s1, $0x2  }
0xb9: {  	s3 =	sand.u32 $0x4000, s31;
	s1 =	sadd.s32 s1, s30  }
0xba: {  	s0 =	sor.u32 s3, s0;
	s1 =	sshll.u32 s1, $0x11  }
0xbb: {  	s0 =	sor.u32 s1, s0  }
0xbc: {  	s0 =	sadd.s32 $0x8F2B, s0  }
0xbd: {  	[sflag:s0] =	ssyncadd.remote.s32 $0x1  }
0xbe: {  	_ =	sfence.sel $0xFFFF  }
0xbf: {  	[dreg:$0x0] =	wrdreg $0xFFFFFFFF;
	(pc) =	sbr.abs _section_cstart, $3  }
0xc0: {  	[dreg:$0x1] =	wrdreg $0xFFFFFFFF  }
0xc1: {  	_ =	task.clear_ibuf [dreg:s7], $0x2FFFF;
	_ =	strace $0x9FFFFFFF  }
0xc2: {  	(tm) =	ssettm $0x7FFFFFFF  }
0xc3: {  	_ =	shalt  }
tec
execute0_lowered:
.L_overlay_start_1:
0x0: {  	(tag) =	ssettag $0x1  }
0x1: {  	s0 =	srdreg.scid;
	s2 =	stileid.u32  }
0x2: {  	s1 =	rddreg [dreg:$0x0];
	s9 =	simm.s32 $0xD0;
	s10 =	simm.s32 $0x9  }
0x3: {  	s13 =	simm.s32 $0x64;
	s14 =	simm.s32 $0x9AD0;
	s16 =	simm.s32 $0xB3D0  }
0x4: {  	s18 =	simm.s32 $0xCCD0;
	s20 =	simm.s32 $0xE5D0;
	s22 =	simm.s32 $0xFED0  }
0x5: {  	s29 =	simm.s32 $0x149D0;
	s30 =	simm.s32 $0x5;
	s31 =	simm.s32 $0x6  }
0x6: {  	s0 =	sand.u32 $0x1, s0;
	s3 =	sshll.u32 s2, $0x1;
	s2 =	rddreg [dreg:$0x1]  }
0x7: {  	s5 =	sor.u32 s0, s3;
	s3 =	simm.s32 $0x0;
	s0 =	ssub.s32 $0x2, s0  }
0x8: {  	s4 =	smul.u32 $0xD00, s5;
	[smem:$0x7FF] =	sst s3;
	s7 =	sshrl.u32 s0, $0x1  }
0x9: {  	s5 =	smul.u32 $0x6400, s5;
	_ =	strace $0x80000047;
	s0 =	ssub.s32 s0, s7  }
0xa: {  	s6 =	sadd.s32 s4, s1;
	s4 =	sadd.s32 $0x1B200, s1;
	s1 =	sadd.s32 $0xA00, s1  }
0xb: {  	s26 =	sor.u32 $0x10, s5;
	s11 =	sor.u32 $0x30, s5;
	s12 =	sor.u32 $0x40, s5  }
0xc: {  	s15 =	sor.u32 $0x50, s5;
	s17 =	sor.u32 $0x54, s5;
	s19 =	sor.u32 $0x64, s5  }
0xd: {  	s21 =	sor.u32 $0x74, s5;
	s23 =	sor.u32 $0x84, s5;
	s28 =	sor.u32 $0xA4, s5  }
0xe: {  	s8 =	sor.u32 $0xB4, s5;
	s24 =	sor.u32 $0xB8, s5;
	[dreg:$0x3] =	wrdreg s1  }
0xf: {  	s25 =	sadd.s32 $0x1200, s6;
	s7 =	sadd.s32 $0x1268, s6;
	[dreg:$0x5] =	wrdreg s8  }
0x10: {  	v13 =	vlaneseq.u32;
	s6 =	sor.u32 $0x20, s5;
	[dreg:$0x6] =	wrdreg s24;
	s8 =	smax.u32 s0, $0x1  }
.Ltmp0:
0x11: {  	v0 =	vor.u32 s5, v13;
	v1 =	vor.u32 s26, v13;
	s24 =	simm.s32 $0x117D0;
	s26 =	simm.s32 $0x130D0;
	(pc) =	sbr.rel .LBB2_1-.Ltmp0, $4  }
0x12: {  	v3 =	vor.u32 s11, v13;
	v4 =	vor.u32 s12, v13;
	v5 =	vor.u32 s15, v13;
	s1 =	simm.s32 $0x1;
	s0 =	simm.s32 $0x68;
	[dreg:$0x4] =	wrdreg s25  }
0x13: {  	v6 =	vadd.s32 s17, v13;
	v7 =	vadd.s32 s19, v13;
	s11 =	simm.s32 $0x2;
	v11 =	vadd.s32 s28, v13;
	s25 =	sor.u32 $0x94, s5;
	s28 =	rddreg [dreg:$0x6]  }
0x14: {  	v8 =	vadd.s32 s21, v13;
	v9 =	vadd.s32 s23, v13;
	s12 =	simm.s32 $0x3;
	s15 =	simm.s32 $0x4;
	v10 =	vadd.s32 s25, v13;
	s25 =	rddreg [dreg:$0x5]  }
0x15: {  	s17 =	simm.s32 $0x7;
	s19 =	simm.s32 $0x8;
	s21 =	simm.s32 $0x0;
	v2 =	vor.u32 s6, v13;
	v12 =	vadd.s32 s25, v13;
	v13 =	vadd.s32 s28, v13  }
.LBB2_12:
0x16: {  	s21 =	sadd.s32 $0x1, s21  }
0x17: {  	_ =	swait.ge [sflag:s19], $0x1900;
	p0 =	sne.s32 s21, s8  }
.Ltmp1:
0x18: {  	[sflag:s19] =	ssyncset.done $0x0;
	(pc) =	sbr.rel @!p0 .LBB2_13-.Ltmp1, $4  }
0x19: {  	[sflag:s19] =	ssyncadd.s32 $0xFFFFE700  }
0x1a: {  	_ =	swait.ge [sflag:s19], $0x1900  }
0x1b: {  	[sflag:s19] =	ssyncset.done $0x0  }
0x1c: {  	[sflag:s19] =	ssyncadd.s32 $0xFFFFE700  }
.LBB2_1:
0x1d: {  	s5 =	rddreg [dreg:$0x4]  }
0x1e: {  	[tilespmem:s9], [sflag:$0x9] =	stream.linear.gather [hbm4b:s5+s3], $0x340, $0x38;
	[tilespmem:$0x162D0] =	vst v63  }
0x1f: {  	_ =	swait.ge [sflag:s10], $0x340  }
0x20: {  	[sflag:s10] =	ssyncset.done $0x0  }
0x21: {  	s25 =	simm.s32 $0x410;
	[sflag:s10] =	ssyncadd.s32 $0xFFFFFCC0  }
0x22: {  	[tilespmem:s25], [sflag:$0x5] =	stream.linear.gather [hbm4b:s7+s3], $0x64C0, $0x38;
	[tilespmem:$0x162D0] =	vst v63  }
0x23: {  	s6 =	simm.s32 $0x68D0;
	s28 =	rddreg [dreg:$0x3]  }
0x24: {  	[tilespmem:s6], [sflag:$0x6] =	stream.linear.gather [hbm4b:s28+s3], $0x3200, $0x38;
	[tilespmem:$0x162D0] =	vst v63  }
0x25: {  	_ = 	snop  }
0x26: {  	[tilespmem:s14], [sflag:$0x1] =	stream.indirect.gather [hbm4b:s4+s13], $0x40, s9, s13, $0xb8;
	[tilespmem:$0x162D0] =	vst v63  }
0x27: {  	s23 =	simm.s32 $0x138  }
0x28: {  	[tilespmem:s16], [sflag:$0x1] =	stream.indirect.gather [hbm4b:s4+s13], $0x40, s23, s13, $0xb8;
	[tilespmem:$0x162D0] =	vst v63  }
0x29: {  	s25 =	simm.s32 $0x1A0  }
0x2a: {  	[tilespmem:s18], [sflag:$0x2] =	stream.indirect.gather [hbm4b:s4+s13], $0x40, s25, s13, $0xb8;
	[tilespmem:$0x162D0] =	vst v63  }
0x2b: {  	s28 =	simm.s32 $0x208  }
0x2c: {  	[tilespmem:s20], [sflag:$0x2] =	stream.indirect.gather [hbm4b:s4+s13], $0x40, s28, s13, $0xb8;
	[tilespmem:$0x162D0] =	vst v63  }
0x2d: {  	s6 =	simm.s32 $0x270  }
0x2e: {  	[tilespmem:s22], [sflag:$0x3] =	stream.indirect.gather [hbm4b:s4+s13], $0x40, s6, s13, $0xb8;
	[tilespmem:$0x162D0] =	vst v63  }
0x2f: {  	s23 =	simm.s32 $0x2D8  }
0x30: {  	[tilespmem:s24], [sflag:$0x3] =	stream.indirect.gather [hbm4b:s4+s13], $0x40, s23, s13, $0xb8;
	[tilespmem:$0x162D0] =	vst v63  }
0x31: {  	s25 =	simm.s32 $0x340  }
0x32: {  	[tilespmem:s26], [sflag:$0x4] =	stream.indirect.gather [hbm4b:s4+s13], $0x40, s25, s13, $0xb8;
	[tilespmem:$0x162D0] =	vst v63  }
0x33: {  	s28 =	simm.s32 $0x3A8  }
0x34: {  	[tilespmem:s29], [sflag:$0x4] =	stream.indirect.gather [hbm4b:s4+s13], $0x40, s28, s13, $0xb8;
	[tilespmem:$0x162D0] =	vst v63  }
0x35: {  	_ =	swait.ge [sflag:s30], $0x64C0  }
0x36: {  	[sflag:s30] =	ssyncset.done $0x0  }
0x37: {  	[sflag:s30] =	ssyncadd.s32 $0xFFFF9B40  }
0x38: {  	_ =	swait.ge [sflag:s31], $0x3200  }
0x39: {  	[sflag:s31] =	ssyncset.done $0x0  }
0x3a: {  	[sflag:s31] =	ssyncadd.s32 $0xFFFFCE00  }
0x3b: {  	[tilespmem:$0x0] =	vst v0  }
0x3c: {  	[tilespmem:$0x10] =	vst v1  }
0x3d: {  	[tilespmem:$0x20] =	vst v2  }
0x3e: {  	[tilespmem:$0x30] =	vst v3  }
0x3f: {  	[tilespmem:$0x40] =	vst v4  }
0x40: {  	[tilespmem:$0x50] =	vst v5  }
0x41: {  	[tilespmem:$0x68] =	vst v7  }
0x42: {  	[tilespmem:$0x78] =	vst v8  }
0x43: {  	[tilespmem:$0x88] =	vst v9  }
0x44: {  	[tilespmem:$0x98] =	vst v10  }
0x45: {  	[tilespmem:$0xA8] =	vst v11  }
0x46: {  	[tilespmem:$0xB8] =	vst v12  }
0x47: {  	[tilespmem:$0x54] =	vst v6  }
0x48: {  	s23 =	simm.s32 $0x0;
	[tilespmem:$0xBC] =	vst v13  }
.LBB2_2:
0x49: {  	_ =	swait.ge [sflag:s1], $0x3200  }
0x4a: {  	[sflag:s1] =	ssyncset.done $0x0  }
0x4b: {  	s25 =	simm.s32 $0x0;
	[sflag:s1] =	ssyncadd.s32 $0xFFFFCE00  }
0x4c: {  	v15 =	vld [tilespmem:s25+$0x6900]  }
0x4d: {  	v16 =	vld [tilespmem:s25+$0x68D0]  }
0x4e: {  	v17 =	vld [tilespmem:s25+$0x68E0]  }
0x4f: {  	v14 =	vld [tilespmem:s25+$0x68F0];
	_ =	sdelay $0x1  }
0x50: {  	[tilespmem:s25+$0x9B00] =	vst.add.f32.msk $0xffff, v15  }
0x51: {  	[tilespmem:s25+$0x9AD0] =	vst.add.f32.msk $0xffff, v16  }
0x52: {  	s28 =	simm.s32 $0x40;
	s5 =	simm.s32 $0x200;
	[tilespmem:s25+$0x9AE0] =	vst.add.f32.msk $0xffff, v17  }
.LBB2_3:
0x53: {  	p0 =	sne.s32 s5, $0xC700;
	v15 =	vld [tilespmem:s28+$0x6900];
	v16 =	vmov v14  }
0x54: {  	v17 =	vld [tilespmem:s28+$0x68D0]  }
0x55: {  	v18 =	vld [tilespmem:s28+$0x68E0]  }
.Ltmp2:
0x56: {  	v14 =	vld [tilespmem:s28+$0x68F0];
	(pc) =	sbr.rel @p0 .LBB2_3-.Ltmp2, $4  }
0x57: {  	[tilespmem:s25+$0x9AF0] =	vst.add.f32.msk $0xffff, v16;
	s25 =	smov.u32 s28  }
0x58: {  	[tilespmem:s25+$0x9B00] =	vst.add.f32.msk $0xffff, v15  }
0x59: {  	[tilespmem:s25+$0x9AD0] =	vst.add.f32.msk $0xffff, v17  }
0x5a: {  	s28 =	sshra.s32 s5, $0x2;
	s5 =	sadd.s32 $0x100, s5;
	[tilespmem:s25+$0x9AE0] =	vst.add.f32.msk $0xffff, v18  }
0x5b: {  	v15 =	vld [tilespmem:s28+$0x6900]  }
0x5c: {  	v16 =	vld [tilespmem:s28+$0x68D0]  }
0x5d: {  	v17 =	vld [tilespmem:s28+$0x68E0]  }
0x5e: {  	v18 =	vld [tilespmem:s28+$0x68F0]  }
0x5f: {  	[tilespmem:s25+$0x9AF0] =	vst.add.f32.msk $0xffff, v14  }
0x60: {  	[tilespmem:s28+$0x9B00] =	vst.add.f32.msk $0xffff, v15  }
0x61: {  	[tilespmem:s28+$0x9AD0] =	vst.add.f32.msk $0xffff, v16  }
0x62: {  	[tilespmem:s28+$0x9AE0] =	vst.add.f32.msk $0xffff, v17  }
0x63: {  	s5 =	simm.s32 $0x0;
	[tilespmem:s28+$0x9AF0] =	vst.add.f32.msk $0xffff, v18  }
0x64: {  	[hbm4b:s2+s13] =	stream.indirect.scatter [tilespmem:s14], [sflag:$0x5], $0x40, s5, s13, $0xb8;
	[tilespmem:$0x162D0] =	vst v63  }
0x65: {  	_ = 	snop  }
0x66: {  	[hbm4b:s2+s13] =	stream.indirect.scatter [tilespmem:s16], [sflag:$0x5], $0x40, s0, s13, $0xb8;
	[tilespmem:$0x162D0] =	vst v63  }
0x67: {  	_ =	swait.ge [sflag:s11], $0x3200  }
0x68: {  	[sflag:s11] =	ssyncset.done $0x0  }
0x69: {  	s25 =	simm.s32 $0x0;
	[sflag:s11] =	ssyncadd.s32 $0xFFFFCE00  }
0x6a: {  	v15 =	vld [tilespmem:s25+$0x6900]  }
0x6b: {  	v62 =	vld [tilespmem:s25+$0x68D0]  }
0x6c: {  	v63 =	vld [tilespmem:s25+$0x68E0]  }
0x6d: {  	v14 =	vld [tilespmem:s25+$0x68F0];
	_ =	sdelay $0x1  }
0x6e: {  	[tilespmem:s25+$0xCD00] =	vst.add.f32.msk $0xffff, v15  }
0x6f: {  	[tilespmem:s25+$0xCCD0] =	vst.add.f32.msk $0xffff, v62  }
0x70: {  	s28 =	simm.s32 $0x40;
	s5 =	simm.s32 $0x200;
	[tilespmem:s25+$0xCCE0] =	vst.add.f32.msk $0xffff, v63  }
.LBB2_5:
0x71: {  	p0 =	sne.s32 s5, $0xC700;
	v15 =	vld [tilespmem:s28+$0x6900];
	v16 =	vmov v14  }
0x72: {  	v17 =	vld [tilespmem:s28+$0x68D0]  }
0x73: {  	v18 =	vld [tilespmem:s28+$0x68E0]  }
.Ltmp3:
0x74: {  	v14 =	vld [tilespmem:s28+$0x68F0];
	(pc) =	sbr.rel @p0 .LBB2_5-.Ltmp3, $4  }
0x75: {  	[tilespmem:s25+$0xCCF0] =	vst.add.f32.msk $0xffff, v16;
	s25 =	smov.u32 s28  }
0x76: {  	[tilespmem:s25+$0xCD00] =	vst.add.f32.msk $0xffff, v15  }
0x77: {  	[tilespmem:s25+$0xCCD0] =	vst.add.f32.msk $0xffff, v17  }
0x78: {  	s28 =	sshra.s32 s5, $0x2;
	s5 =	sadd.s32 $0x100, s5;
	[tilespmem:s25+$0xCCE0] =	vst.add.f32.msk $0xffff, v18  }
0x79: {  	v15 =	vld [tilespmem:s28+$0x6900]  }
0x7a: {  	v16 =	vld [tilespmem:s28+$0x68D0]  }
0x7b: {  	v17 =	vld [tilespmem:s28+$0x68E0]  }
0x7c: {  	v18 =	vld [tilespmem:s28+$0x68F0]  }
0x7d: {  	[tilespmem:s25+$0xCCF0] =	vst.add.f32.msk $0xffff, v14  }
0x7e: {  	[tilespmem:s28+$0xCD00] =	vst.add.f32.msk $0xffff, v15  }
0x7f: {  	[tilespmem:s28+$0xCCD0] =	vst.add.f32.msk $0xffff, v16  }
0x80: {  	[tilespmem:s28+$0xCCE0] =	vst.add.f32.msk $0xffff, v17  }
0x81: {  	[tilespmem:s28+$0xCCF0] =	vst.add.f32.msk $0xffff, v18  }
0x82: {  	[hbm4b:s2+s13] =	stream.indirect.scatter [tilespmem:s18], [sflag:$0x6], $0x40, s3, s13, $0xb8;
	[tilespmem:$0x162D0] =	vst v63  }
0x83: {  	_ = 	snop  }
0x84: {  	[hbm4b:s2+s13] =	stream.indirect.scatter [tilespmem:s20], [sflag:$0x6], $0x40, s0, s13, $0xb8;
	[tilespmem:$0x162D0] =	vst v63  }
0x85: {  	_ =	swait.ge [sflag:s30], $0x1900  }
0x86: {  	p0 =	seq.s32 s23, $0x1F;
	[sflag:s30] =	ssyncset.done $0x0  }
0x87: {  	s5 =	smul.u32 @!p0 $0xD00, s23;
	[sflag:s30] =	ssyncadd.s32 $0xFFFFE700  }
0x88: {  	_ =	swait.ge [sflag:s30], $0x1900  }
0x89: {  	s6 =	simm.s32 @!p0 $0x64;
	s25 =	sshra.s32 @!p0 s5, $0x2;
	[sflag:s30] =	ssyncset.done $0x0  }
0x8a: {  	s5 =	sadd.s32 @!p0 $0x410, s25;
	s28 =	simm.s32 @!p0 $0x9AD0;
	[sflag:s30] =	ssyncadd.s32 $0xFFFFE700  }
0x8b: {  	[tilespmem:s28], [sflag:$0x1] =	stream.indirect.gather @!p0 [hbm4b:s4+s6], $0x40, s5, s6, $0xb8;
	[tilespmem:$0x162D0] =	vst v63  }
0x8c: {  	s5 =	sadd.s32 @!p0 $0x478, s25;
	s28 =	simm.s32 @!p0 $0xB3D0  }
0x8d: {  	[tilespmem:s28], [sflag:$0x1] =	stream.indirect.gather @!p0 [hbm4b:s4+s6], $0x40, s5, s6, $0xb8;
	[tilespmem:$0x162D0] =	vst v63  }
0x8e: {  	_ =	swait.ge [sflag:s12], $0x3200  }
0x8f: {  	[sflag:s12] =	ssyncset.done $0x0  }
0x90: {  	s28 =	simm.s32 $0x0;
	[sflag:s12] =	ssyncadd.s32 $0xFFFFCE00  }
0x91: {  	v15 =	vld [tilespmem:s28+$0x6900]  }
0x92: {  	v62 =	vld [tilespmem:s28+$0x68D0]  }
0x93: {  	v63 =	vld [tilespmem:s28+$0x68E0]  }
0x94: {  	v14 =	vld [tilespmem:s28+$0x68F0];
	_ =	sdelay $0x1  }
0x95: {  	[tilespmem:s28+$0xFF00] =	vst.add.f32.msk $0xffff, v15  }
0x96: {  	[tilespmem:s28+$0xFED0] =	vst.add.f32.msk $0xffff, v62  }
0x97: {  	s5 =	simm.s32 $0x40;
	s6 =	simm.s32 $0x200;
	[tilespmem:s28+$0xFEE0] =	vst.add.f32.msk $0xffff, v63  }
.LBB2_7:
0x98: {  	p1 =	sne.s32 s6, $0xC700;
	v15 =	vld [tilespmem:s5+$0x6900];
	v16 =	vmov v14  }
0x99: {  	v17 =	vld [tilespmem:s5+$0x68D0]  }
0x9a: {  	v18 =	vld [tilespmem:s5+$0x68E0]  }
.Ltmp4:
0x9b: {  	v14 =	vld [tilespmem:s5+$0x68F0];
	(pc) =	sbr.rel @p1 .LBB2_7-.Ltmp4, $4  }
0x9c: {  	[tilespmem:s28+$0xFEF0] =	vst.add.f32.msk $0xffff, v16;
	s28 =	smov.u32 s5  }
0x9d: {  	[tilespmem:s28+$0xFF00] =	vst.add.f32.msk $0xffff, v15  }
0x9e: {  	[tilespmem:s28+$0xFED0] =	vst.add.f32.msk $0xffff, v17  }
0x9f: {  	s5 =	sshra.s32 s6, $0x2;
	s6 =	sadd.s32 $0x100, s6;
	[tilespmem:s28+$0xFEE0] =	vst.add.f32.msk $0xffff, v18  }
0xa0: {  	v15 =	vld [tilespmem:s5+$0x6900]  }
0xa1: {  	v16 =	vld [tilespmem:s5+$0x68D0]  }
0xa2: {  	v17 =	vld [tilespmem:s5+$0x68E0]  }
0xa3: {  	v18 =	vld [tilespmem:s5+$0x68F0]  }
0xa4: {  	[tilespmem:s28+$0xFEF0] =	vst.add.f32.msk $0xffff, v14  }
0xa5: {  	[tilespmem:s5+$0xFF00] =	vst.add.f32.msk $0xffff, v15  }
0xa6: {  	[tilespmem:s5+$0xFED0] =	vst.add.f32.msk $0xffff, v16  }
0xa7: {  	[tilespmem:s5+$0xFEE0] =	vst.add.f32.msk $0xffff, v17  }
0xa8: {  	[tilespmem:s5+$0xFEF0] =	vst.add.f32.msk $0xffff, v18  }
0xa9: {  	[hbm4b:s2+s13] =	stream.indirect.scatter [tilespmem:s22], [sflag:$0x7], $0x40, s3, s13, $0xb8;
	[tilespmem:$0x162D0] =	vst v63  }
0xaa: {  	_ = 	snop  }
0xab: {  	[hbm4b:s2+s13] =	stream.indirect.scatter [tilespmem:s24], [sflag:$0x7], $0x40, s0, s13, $0xb8;
	[tilespmem:$0x162D0] =	vst v63  }
0xac: {  	_ =	swait.ge [sflag:s31], $0x1900  }
0xad: {  	[sflag:s31] =	ssyncset.done $0x0  }
0xae: {  	[sflag:s31] =	ssyncadd.s32 $0xFFFFE700  }
0xaf: {  	_ =	swait.ge [sflag:s31], $0x1900  }
0xb0: {  	s6 =	simm.s32 @!p0 $0x64;
	[sflag:s31] =	ssyncset.done $0x0  }
0xb1: {  	s28 =	simm.s32 @!p0 $0xCCD0;
	s5 =	sadd.s32 @!p0 $0x4E0, s25;
	[sflag:s31] =	ssyncadd.s32 $0xFFFFE700  }
0xb2: {  	[tilespmem:s28], [sflag:$0x2] =	stream.indirect.gather @!p0 [hbm4b:s4+s6], $0x40, s5, s6, $0xb8;
	[tilespmem:$0x162D0] =	vst v63  }
0xb3: {  	s5 =	sadd.s32 @!p0 $0x548, s25;
	s25 =	simm.s32 @!p0 $0xE5D0  }
0xb4: {  	[tilespmem:s25], [sflag:$0x2] =	stream.indirect.gather @!p0 [hbm4b:s4+s6], $0x40, s5, s6, $0xb8;
	[tilespmem:$0x162D0] =	vst v63  }
0xb5: {  	_ =	swait.ge [sflag:s15], $0x3200  }
0xb6: {  	[sflag:s15] =	ssyncset.done $0x0  }
0xb7: {  	s25 =	simm.s32 $0x0;
	[sflag:s15] =	ssyncadd.s32 $0xFFFFCE00  }
0xb8: {  	v15 =	vld [tilespmem:s25+$0x6900]  }
0xb9: {  	v62 =	vld [tilespmem:s25+$0x68D0]  }
0xba: {  	v63 =	vld [tilespmem:s25+$0x68E0]  }
0xbb: {  	v14 =	vld [tilespmem:s25+$0x68F0];
	_ =	sdelay $0x1  }
0xbc: {  	[tilespmem:s25+$0x13100] =	vst.add.f32.msk $0xffff, v15  }
0xbd: {  	[tilespmem:s25+$0x130D0] =	vst.add.f32.msk $0xffff, v62  }
0xbe: {  	s5 =	simm.s32 $0x40;
	s6 =	simm.s32 $0x200;
	[tilespmem:s25+$0x130E0] =	vst.add.f32.msk $0xffff, v63  }
.LBB2_9:
0xbf: {  	p1 =	sne.s32 s6, $0xC700;
	v15 =	vld [tilespmem:s5+$0x6900];
	v16 =	vmov v14  }
0xc0: {  	v17 =	vld [tilespmem:s5+$0x68D0]  }
0xc1: {  	v18 =	vld [tilespmem:s5+$0x68E0]  }
.Ltmp5:
0xc2: {  	v14 =	vld [tilespmem:s5+$0x68F0];
	(pc) =	sbr.rel @p1 .LBB2_9-.Ltmp5, $4  }
0xc3: {  	[tilespmem:s25+$0x130F0] =	vst.add.f32.msk $0xffff, v16;
	s25 =	smov.u32 s5  }
0xc4: {  	[tilespmem:s25+$0x13100] =	vst.add.f32.msk $0xffff, v15  }
0xc5: {  	[tilespmem:s25+$0x130D0] =	vst.add.f32.msk $0xffff, v17  }
0xc6: {  	s5 =	sshra.s32 s6, $0x2;
	s6 =	sadd.s32 $0x100, s6;
	[tilespmem:s25+$0x130E0] =	vst.add.f32.msk $0xffff, v18  }
0xc7: {  	v15 =	vld [tilespmem:s5+$0x6900]  }
0xc8: {  	v16 =	vld [tilespmem:s5+$0x68D0]  }
0xc9: {  	v17 =	vld [tilespmem:s5+$0x68E0]  }
0xca: {  	v18 =	vld [tilespmem:s5+$0x68F0]  }
0xcb: {  	[tilespmem:s25+$0x130F0] =	vst.add.f32.msk $0xffff, v14  }
0xcc: {  	[tilespmem:s5+$0x13100] =	vst.add.f32.msk $0xffff, v15  }
0xcd: {  	[tilespmem:s5+$0x130D0] =	vst.add.f32.msk $0xffff, v16  }
0xce: {  	[tilespmem:s5+$0x130E0] =	vst.add.f32.msk $0xffff, v17  }
0xcf: {  	[tilespmem:s5+$0x130F0] =	vst.add.f32.msk $0xffff, v18  }
0xd0: {  	[hbm4b:s2+s13] =	stream.indirect.scatter [tilespmem:s26], [sflag:$0x8], $0x40, s3, s13, $0xb8;
	[tilespmem:$0x162D0] =	vst v63  }
0xd1: {  	_ = 	snop  }
0xd2: {  	[hbm4b:s2+s13] =	stream.indirect.scatter [tilespmem:s29], [sflag:$0x8], $0x40, s0, s13, $0xb8;
	[tilespmem:$0x162D0] =	vst v63  }
0xd3: {  	_ =	swait.ge [sflag:s17], $0x1900  }
.Ltmp6:
0xd4: {  	[sflag:s17] =	ssyncset.done $0x0;
	(pc) =	sbr.rel @p0 .LBB2_12-.Ltmp6, $4  }
0xd5: {  	[sflag:s17] =	ssyncadd.s32 $0xFFFFE700  }
0xd6: {  	_ =	swait.ge [sflag:s17], $0x1900  }
0xd7: {  	[sflag:s17] =	ssyncset.done $0x0  }
0xd8: {  	[sflag:s17] =	ssyncadd.s32 $0xFFFFE700  }
0xd9: {  	s5 =	smul.u32 $0xD00, s23;
	_ =	sdelay $0x1  }
0xda: {  	s5 =	sshra.s32 s5, $0x2  }
0xdb: {  	s6 =	sadd.s32 $0x5B0, s5  }
0xdc: {  	[tilespmem:s22], [sflag:$0x3] =	stream.indirect.gather [hbm4b:s4+s13], $0x40, s6, s13, $0xb8;
	[tilespmem:$0x162D0] =	vst v63  }
0xdd: {  	s25 =	sadd.s32 $0x618, s5  }
0xde: {  	[tilespmem:s24], [sflag:$0x3] =	stream.indirect.gather [hbm4b:s4+s13], $0x40, s25, s13, $0xb8;
	[tilespmem:$0x162D0] =	vst v63  }
0xdf: {  	_ =	swait.ge [sflag:s19], $0x1900  }
0xe0: {  	[sflag:s19] =	ssyncset.done $0x0  }
0xe1: {  	[sflag:s19] =	ssyncadd.s32 $0xFFFFE700  }
0xe2: {  	_ =	swait.ge [sflag:s19], $0x1900  }
.Ltmp7:
0xe3: {  	[sflag:s19] =	ssyncset.done $0x0;
	(pc) =	sbr.rel .LBB2_2-.Ltmp7, $4  }
0xe4: {  	s28 =	sadd.s32 $0x680, s5;
	[sflag:s19] =	ssyncadd.s32 $0xFFFFE700  }
0xe5: {  	[tilespmem:s26], [sflag:$0x4] =	stream.indirect.gather [hbm4b:s4+s13], $0x40, s28, s13, $0xb8;
	[tilespmem:$0x162D0] =	vst v63  }
0xe6: {  	s23 =	sadd.s32 $0x1, s23;
	s5 =	sadd.s32 $0x6E8, s5  }
0xe7: {  	[tilespmem:s29], [sflag:$0x4] =	stream.indirect.gather [hbm4b:s4+s13], $0x40, s5, s13, $0xb8;
	[tilespmem:$0x162D0] =	vst v63  }
.LBB2_13:
0xe8: {  	_ =	sfence.sel $0x180000  }
0xe9: {  	[bflag:$0x0] =	sbarrier.arrive $0xFFFF  }
0xea: {  	_ =	strace $0x90000047  }
0xeb: {  	s0 =	stileid.u32;
	[bflag:$0x2] =	sbarrier.arrive $0xFFFF  }
0xec: {  	p0 =	sne.s32 s0, $0x0;
	s0 =	rddreg [dreg:$0x2]  }
0xed: {  	s0 =	sadd.s32 @!p0 $0x100000, s0  }
0xee: {  	[sflag:s0] =	ssyncadd.tile.s32 @!p0 $0x1;
	_ =	shalt  }
.Lfunc_end2:
_tile_overlayer_lowered:
.L_overlay_start_2:
0xef: {  	(tag) =	ssettag $0x2  }
0xf0: {  	s0 =	rddreg [dreg:$0x0];
	s2 =	stileid.u32  }
0xf1: {  	s1 =	rddreg [dreg:$0x1];
	p0 =	sne.s32 s2, $0x0  }
0xf2: {  	s3 =	rddreg [dreg:$0x2];
	[bflag:$0x3] =	sbarrier.arrive $0xFFFF;
	s2 =	simm.s32 @!p0 $0x1C09  }
0xf3: {  	[timem:s3], [sflag:s2] =	dma.local @!p0 [hbm:s0], s1  }
0xf4: {  	s0 =	simm.s32 @!p0 $0x9  }
0xf5: {  	_ =	swait.ge @!p0 [sflag:s0], s1  }
0xf6: {  	s1 =	ssub.s32 @!p0 $0x0, s1;
	[sflag:s0] =	ssyncset.done @!p0 $0x0  }
0xf7: {  	[sflag:s0] =	ssyncadd.s32 @!p0 s1  }
0xf8: {  	[bflag:$0x3] =	sbarrier.arrive $0xFFFF  }
0xf9: {  	_ =	shalt  }

// kernel: sparse-core-data-format-call.cloned.1.call-start
scs
called_computation_lowered:
.L_overlay_start_0:
0x0: {  	s2 =	sld [smem:$0x3FD9]  }
0x1: {  	s3 =	sld [smem:$0x3FFE];
	_ =	sdelay $0x1  }
0x2: {  	s1 =	srdreg.scid  }
0x3: {  	s0 =	sand.u32 $0x1, s1  }
0x4: {  	s18 =	sshll.u32 s0, $0xA;
	s2 =	sadd.s32 s3, s2  }
0x5: {  	s2 =	sadd.s32 s2, s18  }
0x6: {  	[smem:$0x3FC5] =	sst s2  }
0x7: {  	_ = 	snop  }
0x8: {  	s2 =	sld [smem:$0x3FD0];
	(tm) =	ssettm $0x1  }
0x9: {  	s19 =	sld [smem:$0x3FFB];
	_ =	sdelay $0x3  }
0xa: {  	_ =	strace s19  }
0xb: {  	s3 =	sld [smem:$0x3FFC];
	_ =	sdelay $0x3  }
0xc: {  	_ =	strace s3  }
0xd: {  	s3 =	sld [smem:$0x3FFD];
	_ =	sdelay $0x3  }
0xe: {  	_ =	strace s3  }
0xf: {  	_ =	strace $0x8FFFFFFF  }
0x10: {  	s20 =	sld [smem:$0x3FDB];
	_ =	sdelay $0x1  }
0x11: {  	s4 =	simm.s32 $_scs_section_size  }
0x12: {  	s5 =	simm.s32 $_size__tile_overlayer_lowered;
	s6 =	simm.s32 $_tile_overlayer_lowered  }
0x13: {  	s23 =	simm.s32 $0x1BFF;
	s22 =	sshll.u32 s6, $0x1;
	s3 =	sadd.s32 s4, s20  }
0x14: {  	s7 =	simm.s32 $0x0;
	s21 =	sshll.u32 s5, $0x1;
	s5 =	sadd.s32 s22, s3  }
0x15: {  	[timem:s7], [sflag:s23] =	dma.local [hbm:s5], s21  }
0x16: {  	_ =	swait.ge [sflag:s23], s21  }
0x17: {  	s4 =	ssub.s32 $0x0, s21;
	[sflag:s23] =	ssyncset.done $0x0  }
0x18: {  	[sflag:s23] =	ssyncadd.s32 s4;
	_ =	sdelay $0x1  }
0x19: {  	s24 =	simm.s32 $0x1B8B  }
0x1a: {  	_ =	swait.ge [sflag:s24], $0x1  }
0x1b: {  	[sflag:s24] =	ssyncset.done $0x0  }
0x1c: {  	s26 =	simm.s32 $0x1B8E;
	s25 =	sld [smem:$0x3FFE];
	[sflag:s24] =	ssyncadd.s32 $0xFFFFFFFF  }
0x1d: {  	s27 =	simm.s32 $execute0_lowered;
	[smem:$0x3FD2] =	sst s26  }
0x1e: {  	s5 =	sshll.u32 s27, $0x1;
	_ =	strace $0x80000049;
	[dreg:$0x1] =	wrdreg $0xFFFFFFFF  }
0x1f: {  	s28 =	simm.s32 $_size_execute0_lowered;
	s3 =	sadd.s32 s3, s5;
	[dreg:$0x0] =	wrdreg $0x0  }
0x20: {  	s5 =	sshll.u32 s28, $0x1;
	[dreg:$0x2] =	wrdreg s3  }
0x21: {  	[dreg:$0x3] =	wrdreg s5  }
0x22: {  	[dreg:$0x4] =	wrdreg $0xC0  }
0x23: {  	_ =	task [dreg:s7], $0x5FFFF  }
0x24: {  	[dreg:$0x1] =	wrdreg $0xFFFFFFFF  }
0x25: {  	[dreg:$0x0] =	wrdreg $0x60  }
0x26: {  	[dreg:$0x2] =	wrdreg s25  }
0x27: {  	[dreg:$0x3] =	wrdreg s2  }
0x28: {  	[dreg:$0x4] =	wrdreg $0x9  }
0x29: {  	_ =	task.clear_ibuf [dreg:s7], $0x5FFFF;
	_ =	strace $0x90000049  }
0x2a: {  	s29 =	simm.s32 $0x9;
	_ =	strace $0x8000004B  }
0x2b: {  	_ =	swait.ge [sflag:s29], $0x1  }
0x2c: {  	[sflag:s29] =	ssyncadd.s32 $0xFFFFFFFF  }
0x2d: {  	_ =	strace $0x9000004B  }
0x2e: {  	_ =	sfence  }
0x2f: {  	s30 =	sld [smem:$0x0];
	_ =	sdelay $0x2  }
0x30: {  	s31 =	sshll.u32 s1, $0xD;
	s1 =	sshrl.u32 s1, $0x2  }
0x31: {  	s3 =	sand.u32 $0x4000, s31;
	s1 =	sadd.s32 s1, s30  }
0x32: {  	s0 =	sor.u32 s3, s0;
	s1 =	sshll.u32 s1, $0x11  }
0x33: {  	s0 =	sor.u32 s1, s0  }
0x34: {  	s0 =	sadd.s32 $0x8F2B, s0  }
0x35: {  	[sflag:s0] =	ssyncadd.remote.s32 $0x1  }
0x36: {  	_ =	sfence.sel $0xFFFF  }
0x37: {  	[dreg:$0x0] =	wrdreg $0xFFFFFFFF;
	(pc) =	sbr.abs _section_cstart, $3  }
0x38: {  	[dreg:$0x1] =	wrdreg $0xFFFFFFFF  }
0x39: {  	_ =	task.clear_ibuf [dreg:s7], $0x2FFFF;
	_ =	strace $0x9FFFFFFF  }
0x3a: {  	(tm) =	ssettm $0x7FFFFFFF  }
0x3b: {  	_ =	shalt  }
tec
execute0_lowered:
.L_overlay_start_1:
0x0: {  	(tag) =	ssettag $0x1  }
0x1: {  	s0 =	srdreg.scid  }
0x2: {  	s1 =	sshll.u32 s0, $0x4  }
0x3: {  	s0 =	stileid.u32;
	s1 =	sand.u32 $0x10, s1  }
0x4: {  	s1 =	sor.u32 s0, s1  }
0x5: {  	s6 =	rddreg [dreg:$0x0];
	s4 =	simm.s32 $0x1;
	s2 =	sshll.u32 s1, $0x7  }
0x6: {  	s7 =	simm.s32 $0x2;
	s12 =	simm.s32 $0x0;
	s1 =	ssub.s32 $0x1000, s2  }
0x7: {  	s8 =	simm.s32 $0x8000;
	s13 =	simm.s32 $0x0;
	s3 =	sand.u32 $0xF80, s1  }
0x8: {  	s9 =	simm.s32 $0x0;
	s5 =	sshrl.u32 s1, $0xC;
	p0 =	sne.s32 s3, $0x0  }
.Ltmp0:
0x9: {  	s1 =	rddreg [dreg:$0x2];
	s4 =	simm.s32 @!p0 $0x0;
	(pc) =	sbr.rel .LBB1_1-.Ltmp0, $4  }
0xa: {  	s11 =	simm.s32 $0x0;
	s3 =	rddreg [dreg:$0x1];
	s5 =	sadd.s32 s4, s5  }
0xb: {  	_ =	strace $0x8000004A;
	s4 =	simm.s32 $0x1;
	s5 =	smul.u32 $0xC8, s5  }
0xc: {  	s6 =	sadd.s32 $0xA00, s6;
	s10 =	smov.u32 s2;
	[sflag:s4] =	ssyncpa.u1 $0x0  }
0xd: {  	p0 =	por $0x0, $0x0;
	[sflag:s7] =	ssyncpa.u1 $0x0;
	s7 =	sor.u32 $0x1, s5  }
.LBB1_4:
0xe: {  	s16 =	sshll.u32 s13, $0x3;
	s17 =	sand.u32 $0x78, s13  }
0xf: {  	s30 =	sand.u32 $0x7E00, s13;
	s12 =	sshll.u32 s12, $0xF;
	s16 =	sand.u32 $0xC00, s16  }
0x10: {  	[tilespmem:s15+$0x810 ss:$0x81] =	vst.msk $0xffff, v2;
	s31 =	sand.u32 $0x7, s13;
	s16 =	sor.u32 s17, s16;
	s17 =	sadd.s32 s3, s30  }
0x11: {  	[tilespmem:s15+$0x1020 ss:$0x81] =	vst.msk $0xffff, v0;
	s13 =	sshll.u32 s31, $0x12;
	s12 =	sadd.s32 s12, s17;
	s16 =	sshrl.u32 s16, $0x3  }
0x12: {  	[tilespmem:s15+$0x0 ss:$0x81] =	vst.msk $0xffff, v1;
	s13 =	sor.u32 $0x400, s13;
	s12 =	sadd.s32 s16, s12  }
0x13: {  	[hbm4b:s12+s13] =	stream.strided.scatter [tilespmem:s14], [sflag:$0x2], $0x2000, s8, s13, $0x20;
	[tilespmem:$0x8080] =	vst v63  }
.LBB1_5:
0x14: {  	s14 =	sadd.s32 $0x1, s9  }
0x15: {  	s12 =	sadd.s32 $0x1000, s10;
	s16 =	smov.u32 s10;
	p2 =	sgt.s32 s14, $0xC7  }
0x16: {  	s16 =	smov.u32 @p2 s12  }
0x17: {  	s14 =	simm.s32 @p2 $0x0;
	p2 =	sgt.s32 s16, $0xFFF  }
0x18: {  	s16 =	smov.u32 @p2 s2;
	p2 =	sne.s32 s11, s7  }
.Ltmp1:
0x19: {  	p1 =	slt.u32 s11, $0x2;
	(pc) =	sbr.rel @!p2 .LBB1_6-.Ltmp1, $4  }
0x1a: {  	s15 =	simm.s32 @!p1 $0x2  }
0x1b: {  	s13 =	smov.u32 s10;
	p0 =	por !p0, !p0;
	_ =	swait.ge @!p1 [sflag:s15], $0x2000  }
0x1c: {  	s12 =	smov.u32 s9;
	[sflag:s15] =	ssyncset.done @!p1 $0x0;
	s9 =	smov.u32 s14  }
0x1d: {  	s11 =	sadd.s32 $0x1, s11;
	[sflag:s15] =	ssyncadd.s32 @!p1 $0xFFFFE000;
	s10 =	smov.u32 s16  }
.LBB1_1:
0x1e: {  	p1 =	sge.u32 s11, s5  }
0x1f: {  	s14 =	sand.u32 @!p1 $0x1FFFFFF, s9  }
0x20: {  	s15 =	smulhi.u32 @!p1 $0x147AE15, s14;
	_ =	sdelay $0x1  }
0x21: {  	s15 =	smul.u32 @!p1 $0xC8, s15  }
0x22: {  	s16 =	sxor.u32 @!p1 $0xFFFFFFFF, s11;
	s17 =	smul.u32 @!p1 $0xC80, s10  }
0x23: {  	s31 =	sadd.s32 $0xFFFFFFFF, s11;
	s16 =	sshll.u32 @!p1 s16, $0xD;
	s14 =	ssub.s32 @!p1 s14, s15  }
0x24: {  	s15 =	sand.u32 @!p1 $0x2000, s16;
	s16 =	sadd.s32 @!p1 s6, s17;
	s14 =	sshll.u32 @!p1 s14, $0x4  }
0x25: {  	s17 =	simm.s32 @!p1 $0x6400;
	s14 =	sadd.s32 @!p1 s14, s16;
	s16 =	simm.s32 @!p1 $0x40  }
0x26: {  	[tilespmem:s15], [sflag:$0x1] =	stream.strided.gather @!p1 [hbm4b:s14+s16], $0x2000, s17, s16, $0x38;
	[tilespmem:$0x8080] =	vst v63  }
0x27: {  	p1 =	sge.u32 s31, s5  }
.Ltmp2:
0x28: {  	_ = 	snop;
	(pc) =	sbr.rel @p1 .LBB1_5-.Ltmp2, $1  }
0x29: {  	_ =	sdelay $0x3  }
0x2a: {  	s14 =	simm.s32 $0x1  }
0x2b: {  	_ =	swait.ge [sflag:s4], $0x2000;
	s14 =	simm.s32 @!p0 $0x0  }
0x2c: {  	[sflag:s4] =	ssyncset.done $0x0;
	s15 =	sshll.u32 s14, $0xD  }
0x2d: {  	[sflag:s4] =	ssyncadd.s32 $0xFFFFE000;
	s18 =	sor.u32 $0x20, s15  }
0x2e: {  	s14 =	smul.u32 $0x8100, s14;
	v3 =	vld [tilespmem:s18+$0x10]  }
0x2f: {  	s30 =	sand.u32 $0x1, s11;
	v2 =	vld [tilespmem:s18+$0xFFFFFFF0]  }
0x30: {  	s15 =	smul.u32 $0x8100, s30;
	s14 =	sshrl.u32 s14, $0x2;
	v0 =	vld [tilespmem:s18+$0x0]  }
0x31: {  	v1 =	vld [tilespmem:s18+$0xFFFFFFE0];
	s16 =	sor.u32 $0x4000, s14  }
0x32: {  	s31 =	sshrl.u32 s15, $0x2;
	s15 =	sadd.s32 $0x0, s16  }
0x33: {  	s17 =	simm.s32 $0x4;
	s18 =	sadd.s32 $0x40, s18;
	s14 =	sor.u32 $0x4000, s31;
	[tilespmem:s15+$0x1830 ss:$0x81] =	vst.msk $0xffff, v3  }
.LBB1_3:
0x34: {  	v3 =	vld [tilespmem:s18+$0x10];
	p1 =	sne.s32 s17, $0x1FC;
	[tilespmem:s15+$0x810 ss:$0x81] =	vst.msk $0xffff, v2;
	s19 =	smov.u32 s17;
	s17 =	sadd.s32 $0x4, s17  }
.Ltmp3:
0x35: {  	v2 =	vld [tilespmem:s18+$0xFFFFFFF0];
	[tilespmem:s15+$0x1020 ss:$0x81] =	vst.msk $0xffff, v0;
	(pc) =	sbr.rel @p1 .LBB1_3-.Ltmp3, $4  }
0x36: {  	v0 =	vld [tilespmem:s18+$0x0];
	[tilespmem:s15+$0x0 ss:$0x81] =	vst.msk $0xffff, v1  }
0x37: {  	s15 =	sshra.s32 s19, $0x2;
	v1 =	vld [tilespmem:s18+$0xFFFFFFE0]  }
0x38: {  	s15 =	sadd.s32 s15, s16  }
0x39: {  	s18 =	sadd.s32 $0x40, s18;
	[tilespmem:s15+$0x1830 ss:$0x81] =	vst.msk $0xffff, v3  }
.Ltmp4:
0x3a: {  	_ = 	snop;
	(pc) =	sbr.rel .LBB1_4-.Ltmp4, $1  }
0x3b: {  	_ =	sdelay $0x3  }
.LBB1_6:
0x3c: {  	_ =	sfence.sel $0x180000  }
0x3d: {  	s2 =	simm.s32 $0x1;
	[bflag:$0x0] =	sbarrier.arrive $0xFFFF  }
0x3e: {  	s31 =	simm.s32 $0x2;
	[sflag:s2] =	ssyncpa.u1 $0x1  }
0x3f: {  	[sflag:s31] =	ssyncpa.u1 $0x1  }
0x40: {  	p0 =	sne.s32 s0, $0x0;
	_ =	strace $0x9000004A  }
0x41: {  	s0 =	sadd.s32 @!p0 $0x100000, s1;
	[bflag:$0x2] =	sbarrier.arrive $0xFFFF  }
0x42: {  	[sflag:s0] =	ssyncadd.tile.s32 @!p0 $0x1;
	_ =	shalt  }
.Lfunc_end1:
_tile_overlayer_lowered:
.L_overlay_start_2:
0x43: {  	(tag) =	ssettag $0x2  }
0x44: {  	s0 =	rddreg [dreg:$0x0];
	s2 =	stileid.u32  }
0x45: {  	s1 =	rddreg [dreg:$0x1];
	p0 =	sne.s32 s2, $0x0  }
0x46: {  	s3 =	rddreg [dreg:$0x2];
	[bflag:$0x3] =	sbarrier.arrive $0xFFFF;
	s2 =	simm.s32 @!p0 $0x1C01  }
0x47: {  	[timem:s3], [sflag:s2] =	dma.local @!p0 [hbm:s0], s1  }
0x48: {  	s0 =	simm.s32 @!p0 $0x1  }
0x49: {  	_ =	swait.ge @!p0 [sflag:s0], s1  }
0x4a: {  	s1 =	ssub.s32 @!p0 $0x0, s1;
	[sflag:s0] =	ssyncset.done @!p0 $0x0  }
0x4b: {  	[sflag:s0] =	ssyncadd.s32 @!p0 s1  }
0x4c: {  	[bflag:$0x3] =	sbarrier.arrive $0xFFFF  }
0x4d: {  	_ =	shalt  }

</sc_bundles>
